<compile_context>
chip_gen: v7x
topology: tpu7x:2x2x1
jax: 0.10.2.dev20260603
libtpu: 0.0.44.dev20260713+nightly
codegen_flags: <defaults>
</compile_context>

<pallas_src>
import functools

import jax
import jax.numpy as jnp
from jax import lax
from jax.experimental import pallas as pl
from jax.experimental.pallas import tpu as pltpu
from jax.experimental.pallas import tpu_sc as plsc

CH = 128
NBUF = 6
SKEW = 4


def _gather_body(feat_hbm, idx_hbm, out_hbm, *refs, m, per_w, tail, nc):
    idx_all = refs[0]
    rows_v = refs[1:1 + NBUF]
    tail_v = refs[1 + NBUF]
    isem = refs[2 + NBUF]
    tsem = refs[3 + NBUF]
    gsem = refs[4 + NBUF:4 + 2 * NBUF]
    ssem = refs[4 + 2 * NBUF:4 + 3 * NBUF]

    wid = lax.axis_index("s") * nc + lax.axis_index("c")
    base = jnp.minimum(wid * per_w, m - per_w)
    nfull = (per_w - tail) // CH

    def start_gather(b, k):
        pltpu.async_copy(
            feat_hbm.at[idx_all.at[pl.ds(k * CH, CH)]], rows_v[b], gsem[b]
        )

    def wait_gather(b, k):
        pltpu.make_async_copy(
            feat_hbm.at[idx_all.at[pl.ds(k * CH, CH)]], rows_v[b], gsem[b]
        ).wait()

    def wait_store(b, k):
        pltpu.make_async_copy(
            rows_v[b], out_hbm.at[pl.ds(base + k * CH, CH), :], ssem[b]
        ).wait()

    pltpu.async_copy(idx_hbm.at[pl.ds(base, per_w)], idx_all, isem).wait()
    if tail:
        pltpu.async_copy(
            feat_hbm.at[idx_all.at[pl.ds(nfull * CH, tail)]], tail_v, tsem
        )
    for j in range(SKEW):
        start_gather(j, j)

    @pl.loop(0, nfull, step=NBUF)
    def _block(c):
        for b in range(NBUF):
            k = c + b
            bs = (b + SKEW) % NBUF

            @pl.when(k + SKEW < nfull)
            def _():
                @pl.when(k + SKEW >= NBUF)
                def _():
                    wait_store(bs, k + SKEW - NBUF)
                start_gather(bs, k + SKEW)

            wait_gather(b, k)
            pltpu.async_copy(
                rows_v[b], out_hbm.at[pl.ds(base + k * CH, CH), :], ssem[b]
            )

    if tail:
        pltpu.make_async_copy(
            feat_hbm.at[idx_all.at[pl.ds(nfull * CH, tail)]], tail_v, tsem
        ).wait()
        pltpu.async_copy(
            tail_v, out_hbm.at[pl.ds(base + nfull * CH, tail), :], tsem
        )

    for b in range(NBUF):
        wait_store(b, 0)
    if tail:
        pltpu.make_async_copy(
            tail_v, out_hbm.at[pl.ds(base, tail), :], tsem
        ).wait()


def kernel(features, indices):
    m = indices.shape[1]
    d = features.shape[1]
    idx = indices.reshape(m)
    if idx.dtype != jnp.int32:
        idx = idx.astype(jnp.int32)
    info = plsc.get_sparse_core_info()
    nc, ns = info.num_cores, info.num_subcores
    nw = nc * ns
    per_w = -(-(-(-m // nw)) // 8) * 8
    nfull = per_w // CH
    while nfull % NBUF:
        nfull -= 1
    tail = per_w - nfull * CH
    mesh = plsc.VectorSubcoreMesh(core_axis_name="c", subcore_axis_name="s")
    scratch = (
        [pltpu.VMEM((per_w,), jnp.int32)]
        + [pltpu.VMEM((CH, d), jnp.float32) for _ in range(NBUF)]
        + [pltpu.VMEM((max(tail, 8), d), jnp.float32)]
        + [pltpu.SemaphoreType.DMA for _ in range(2 + 2 * NBUF)]
    )
    k = pl.kernel(
        functools.partial(_gather_body, m=m, per_w=per_w, tail=tail, nc=nc),
        out_type=jax.ShapeDtypeStruct((m, d), features.dtype),
        mesh=mesh,
        scratch_types=scratch,
    )
    return k(features, idx)

# --- scband reference (transcript-rebuilt; emitter-appended) ---
"""Pipeline reference for scband-nearest-upsample-90503550861387 (READ-ONLY COPY).

The authoritative reference and input builder live on the scoring server;
editing this copy changes nothing except your own understanding.
"""

import jax, jax.numpy as jnp
import numpy as np

LAYER_IND = 1

def setup_inputs(seed: int = 0) -> dict:
    key = jax.random.key(seed)
    k1, k2 = jax.random.split(key)
    features = jax.random.normal(k1, (50000, 128), dtype=jnp.float32)
    indices = jax.random.randint(k2, (1, 100000, 1), 0, 50000, dtype=jnp.int64)
    return {"features": features, "indices": indices}

def reference(features, indices):
    # NearestUpsample.forward: select indices[layer_ind - 1], then closest-pool gather
    idx2d = indices[LAYER_IND - 1]          # [M, K]
    # _closest_pool: append a zero shadow row so index N maps to zeros
    feats = jnp.concatenate([features, jnp.zeros_like(features[:1, :])], axis=0)  # [N+1, D]
    col0 = idx2d[:, 0]                      # [M]
    # _gather with 1-D indices reduces to a row gather along axis 0
    return jnp.take(feats, col0, axis=0)    # [M, D]

if __name__ == "__main__":
    import jax
    _d = setup_inputs()
    print(jax.jit(kernel)(*tuple(_d.values())))

</pallas_src>

<mosaic_0001>
#map = affine_map<(d0, d1) -> (0, 0)>
#map1 = affine_map<(d0, d1) -> (0)>
module attributes {stable_mosaic.version = 14 : i64} {
  func.func @_gather_body(%arg0: i32, %arg1: i32, %arg2: memref<50000x128xf32, #tpu.memory_space<hbm>>, %arg3: memref<100000xi32, #tpu.memory_space<hbm>>, %arg4: memref<100000x128xf32, #tpu.memory_space<hbm>>, %arg5: memref<3128xi32, #tpu.memory_space<vmem>>, %arg6: memref<128x128xf32, #tpu.memory_space<vmem>>, %arg7: memref<128x128xf32, #tpu.memory_space<vmem>>, %arg8: memref<128x128xf32, #tpu.memory_space<vmem>>, %arg9: memref<128x128xf32, #tpu.memory_space<vmem>>, %arg10: memref<128x128xf32, #tpu.memory_space<vmem>>, %arg11: memref<128x128xf32, #tpu.memory_space<vmem>>, %arg12: memref<56x128xf32, #tpu.memory_space<vmem>>, %arg13: memref<!tpu.dma_semaphore, #tpu.memory_space<semaphore_mem>>, %arg14: memref<!tpu.dma_semaphore, #tpu.memory_space<semaphore_mem>>, %arg15: memref<!tpu.dma_semaphore, #tpu.memory_space<semaphore_mem>>, %arg16: memref<!tpu.dma_semaphore, #tpu.memory_space<semaphore_mem>>, %arg17: memref<!tpu.dma_semaphore, #tpu.memory_space<semaphore_mem>>, %arg18: memref<!tpu.dma_semaphore, #tpu.memory_space<semaphore_mem>>, %arg19: memref<!tpu.dma_semaphore, #tpu.memory_space<semaphore_mem>>, %arg20: memref<!tpu.dma_semaphore, #tpu.memory_space<semaphore_mem>>, %arg21: memref<!tpu.dma_semaphore, #tpu.memory_space<semaphore_mem>>, %arg22: memref<!tpu.dma_semaphore, #tpu.memory_space<semaphore_mem>>, %arg23: memref<!tpu.dma_semaphore, #tpu.memory_space<semaphore_mem>>, %arg24: memref<!tpu.dma_semaphore, #tpu.memory_space<semaphore_mem>>, %arg25: memref<!tpu.dma_semaphore, #tpu.memory_space<semaphore_mem>>, %arg26: memref<!tpu.dma_semaphore, #tpu.memory_space<semaphore_mem>>) attributes {dimension_semantics = [#tpu.dimension_semantics<core_parallel>, #tpu.dimension_semantics<subcore_parallel>], iteration_bounds = array<i64: 2, 16>, scalar_prefetch = 0 : i64, scratch_operands = 22 : i64, tpu.core_type = #tpu.core_type<sc_vector_subcore>, window_params = [{transform_indices = #map}, {transform_indices = #map1}, {transform_indices = #map}]} {
    %mul3A = arith.constant 2 : i32
    %mul3A_0 = arith.muli %arg1, %mul3A : i32
    %add3A = arith.addi %mul3A_0, %arg0 : i32
    %mul3A_1 = arith.constant 3128 : i32
    %mul3A_2 = arith.muli %add3A, %mul3A_1 : i32
    %min3A = arith.constant 96872 : i32
    %min3A_3 = arith.minsi %mul3A_2, %min3A : i32
    %dma_start3A = tpu.memref_slice %arg3[%min3A_3] : memref<100000xi32, #tpu.memory_space<hbm>> -> memref<3128xi32, #tpu.memory_space<hbm>>
    %dma_start3A_4 = tpu.memref_slice %arg3[%min3A_3] : memref<100000xi32, #tpu.memory_space<hbm>> -> memref<3128xi32, #tpu.memory_space<hbm>>
    tpu.enqueue_dma source(%dma_start3A_4 : memref<3128xi32, #tpu.memory_space<hbm>>) target(%arg5 : memref<3128xi32, #tpu.memory_space<vmem>>) target_semaphore(%arg13 : memref<!tpu.dma_semaphore, #tpu.memory_space<semaphore_mem>>)
    %dma_wait3A = tpu.memref_slice %arg3[%min3A_3] : memref<100000xi32, #tpu.memory_space<hbm>> -> memref<3128xi32, #tpu.memory_space<hbm>>
    %dma_wait3A_5 = tpu.memref_slice %arg3[%min3A_3] : memref<100000xi32, #tpu.memory_space<hbm>> -> memref<3128xi32, #tpu.memory_space<hbm>>
    tpu.wait_dma2 semaphore(%arg13 : memref<!tpu.dma_semaphore, #tpu.memory_space<semaphore_mem>>) src(%dma_wait3A_5 : memref<3128xi32, #tpu.memory_space<hbm>>) dst(%arg5 : memref<3128xi32, #tpu.memory_space<vmem>>)
    %dma_start3A_6 = arith.constant 3072 : i32
    %dma_start3A_7 = tpu.memref_slice %arg5[%dma_start3A_6] : memref<3128xi32, #tpu.memory_space<vmem>> -> memref<56xi32, #tpu.memory_space<vmem>>
    %dma_start3A_8 = arith.constant 0 : i32
    %dma_start3A_9 = arith.constant 0 : i32
    %dma_start3A_10 = tpu.memref_slice %arg2[%dma_start3A_8, %dma_start3A_9] : memref<50000x128xf32, #tpu.memory_space<hbm>> -> memref<50000x128xf32, #tpu.memory_space<hbm>>
    tpu.enqueue_indirect_dma source(%dma_start3A_10 : memref<50000x128xf32, #tpu.memory_space<hbm>>) target(%arg12 : memref<56x128xf32, #tpu.memory_space<vmem>>) offsets(%dma_start3A_7 : memref<56xi32, #tpu.memory_space<vmem>>) semaphore(%arg14 : memref<!tpu.dma_semaphore, #tpu.memory_space<semaphore_mem>>)
    %dma_start3A_11 = arith.constant 0 : i32
    %dma_start3A_12 = tpu.memref_slice %arg5[%dma_start3A_11] : memref<3128xi32, #tpu.memory_space<vmem>> -> memref<128xi32, #tpu.memory_space<vmem>>
    %dma_start3A_13 = arith.constant 0 : i32
    %dma_start3A_14 = arith.constant 0 : i32
    %dma_start3A_15 = tpu.memref_slice %arg2[%dma_start3A_13, %dma_start3A_14] : memref<50000x128xf32, #tpu.memory_space<hbm>> -> memref<50000x128xf32, #tpu.memory_space<hbm>>
    tpu.enqueue_indirect_dma source(%dma_start3A_15 : memref<50000x128xf32, #tpu.memory_space<hbm>>) target(%arg6 : memref<128x128xf32, #tpu.memory_space<vmem>>) offsets(%dma_start3A_12 : memref<128xi32, #tpu.memory_space<vmem>>) semaphore(%arg15 : memref<!tpu.dma_semaphore, #tpu.memory_space<semaphore_mem>>)
    %dma_start3A_16 = arith.constant 128 : i32
    %dma_start3A_17 = tpu.memref_slice %arg5[%dma_start3A_16] : memref<3128xi32, #tpu.memory_space<vmem>> -> memref<128xi32, #tpu.memory_space<vmem>>
    %dma_start3A_18 = arith.constant 0 : i32
    %dma_start3A_19 = arith.constant 0 : i32
    %dma_start3A_20 = tpu.memref_slice %arg2[%dma_start3A_18, %dma_start3A_19] : memref<50000x128xf32, #tpu.memory_space<hbm>> -> memref<50000x128xf32, #tpu.memory_space<hbm>>
    tpu.enqueue_indirect_dma source(%dma_start3A_20 : memref<50000x128xf32, #tpu.memory_space<hbm>>) target(%arg7 : memref<128x128xf32, #tpu.memory_space<vmem>>) offsets(%dma_start3A_17 : memref<128xi32, #tpu.memory_space<vmem>>) semaphore(%arg16 : memref<!tpu.dma_semaphore, #tpu.memory_space<semaphore_mem>>)
    %dma_start3A_21 = arith.constant 256 : i32
    %dma_start3A_22 = tpu.memref_slice %arg5[%dma_start3A_21] : memref<3128xi32, #tpu.memory_space<vmem>> -> memref<128xi32, #tpu.memory_space<vmem>>
    %dma_start3A_23 = arith.constant 0 : i32
    %dma_start3A_24 = arith.constant 0 : i32
    %dma_start3A_25 = tpu.memref_slice %arg2[%dma_start3A_23, %dma_start3A_24] : memref<50000x128xf32, #tpu.memory_space<hbm>> -> memref<50000x128xf32, #tpu.memory_space<hbm>>
    tpu.enqueue_indirect_dma source(%dma_start3A_25 : memref<50000x128xf32, #tpu.memory_space<hbm>>) target(%arg8 : memref<128x128xf32, #tpu.memory_space<vmem>>) offsets(%dma_start3A_22 : memref<128xi32, #tpu.memory_space<vmem>>) semaphore(%arg17 : memref<!tpu.dma_semaphore, #tpu.memory_space<semaphore_mem>>)
    %dma_start3A_26 = arith.constant 384 : i32
    %dma_start3A_27 = tpu.memref_slice %arg5[%dma_start3A_26] : memref<3128xi32, #tpu.memory_space<vmem>> -> memref<128xi32, #tpu.memory_space<vmem>>
    %dma_start3A_28 = arith.constant 0 : i32
    %dma_start3A_29 = arith.constant 0 : i32
    %dma_start3A_30 = tpu.memref_slice %arg2[%dma_start3A_28, %dma_start3A_29] : memref<50000x128xf32, #tpu.memory_space<hbm>> -> memref<50000x128xf32, #tpu.memory_space<hbm>>
    tpu.enqueue_indirect_dma source(%dma_start3A_30 : memref<50000x128xf32, #tpu.memory_space<hbm>>) target(%arg9 : memref<128x128xf32, #tpu.memory_space<vmem>>) offsets(%dma_start3A_27 : memref<128xi32, #tpu.memory_space<vmem>>) semaphore(%arg18 : memref<!tpu.dma_semaphore, #tpu.memory_space<semaphore_mem>>)
    %scan3A = arith.constant 0 : i32
    %scan3A_31 = arith.constant 4 : i32
    %scan3A_32 = arith.addi %scan3A, %scan3A_31 : i32
    %scan3A_33 = arith.constant 1 : i32
    scf.for %scan3A_86 = %scan3A to %scan3A_32 step %scan3A_33  : i32 {
      %mul3A_87 = arith.constant 6 : i32
      %mul3A_88 = arith.muli %scan3A_86, %mul3A_87 : i32
      %add3A_89 = arith.constant 0 : i32
      %add3A_90 = arith.addi %add3A_89, %mul3A_88 : i32
      %add3A_91 = arith.constant 0 : i32
      %add3A_92 = arith.addi %add3A_90, %add3A_91 : i32
      %add3A_93 = arith.constant 4 : i32
      %add3A_94 = arith.addi %add3A_92, %add3A_93 : i32
      %lt3A = arith.constant 24 : i32
      %lt3A_95 = arith.cmpi slt, %add3A_94, %lt3A : i32
      %convert_element_type3A = arith.extui %lt3A_95 : i1 to i32
      %cond3A = arith.constant 0 : i32
      %cond3A_96 = arith.cmpi ne, %convert_element_type3A, %cond3A : i32
      scf.if %cond3A_96 {
        %add3A_220 = arith.constant 4 : i32
        %add3A_221 = arith.addi %add3A_92, %add3A_220 : i32
        %ge3A = arith.constant 6 : i32
        %ge3A_222 = arith.cmpi sge, %add3A_221, %ge3A : i32
        %convert_element_type3A_223 = arith.extui %ge3A_222 : i1 to i32
        %cond3A_224 = arith.constant 0 : i32
        %cond3A_225 = arith.cmpi ne, %convert_element_type3A_223, %cond3A_224 : i32
        scf.if %cond3A_225 {
          %add3A_234 = arith.constant 4 : i32
          %add3A_235 = arith.addi %add3A_92, %add3A_234 : i32
          %sub3A = arith.constant 6 : i32
          %sub3A_236 = arith.subi %add3A_235, %sub3A : i32
          %mul3A_237 = arith.constant 128 : i32
          %mul3A_238 = arith.muli %sub3A_236, %mul3A_237 : i32
          %add3A_239 = arith.addi %min3A_3, %mul3A_238 : i32
          %dma_wait3A_240 = arith.constant 0 : i32
          %dma_wait3A_241 = tpu.memref_slice %arg4[%add3A_239, %dma_wait3A_240] : memref<100000x128xf32, #tpu.memory_space<hbm>> -> memref<128x128xf32, #tpu.memory_space<hbm>>
          %dma_wait3A_242 = arith.constant 0 : i32
          %dma_wait3A_243 = tpu.memref_slice %arg4[%add3A_239, %dma_wait3A_242] : memref<100000x128xf32, #tpu.memory_space<hbm>> -> memref<128x128xf32, #tpu.memory_space<hbm>>
          tpu.wait_dma2 semaphore(%arg25 : memref<!tpu.dma_semaphore, #tpu.memory_space<semaphore_mem>>) src(%arg10 : memref<128x128xf32, #tpu.memory_space<vmem>>) dst(%dma_wait3A_243 : memref<128x128xf32, #tpu.memory_space<hbm>>)
        } else {
        }
        %add3A_226 = arith.constant 4 : i32
        %add3A_227 = arith.addi %add3A_92, %add3A_226 : i32
        %mul3A_228 = arith.constant 128 : i32
        %mul3A_229 = arith.muli %add3A_227, %mul3A_228 : i32
        %dma_start3A_230 = tpu.memref_slice %arg5[%mul3A_229] : memref<3128xi32, #tpu.memory_space<vmem>> -> memref<128xi32, #tpu.memory_space<vmem>>
        %dma_start3A_231 = arith.constant 0 : i32
        %dma_start3A_232 = arith.constant 0 : i32
        %dma_start3A_233 = tpu.memref_slice %arg2[%dma_start3A_231, %dma_start3A_232] : memref<50000x128xf32, #tpu.memory_space<hbm>> -> memref<50000x128xf32, #tpu.memory_space<hbm>>
        tpu.enqueue_indirect_dma source(%dma_start3A_233 : memref<50000x128xf32, #tpu.memory_space<hbm>>) target(%arg10 : memref<128x128xf32, #tpu.memory_space<vmem>>) offsets(%dma_start3A_230 : memref<128xi32, #tpu.memory_space<vmem>>) semaphore(%arg19 : memref<!tpu.dma_semaphore, #tpu.memory_space<semaphore_mem>>)
      } else {
      }
      %mul3A_97 = arith.constant 128 : i32
      %mul3A_98 = arith.muli %add3A_92, %mul3A_97 : i32
      %dma_wait3A_99 = tpu.memref_slice %arg5[%mul3A_98] : memref<3128xi32, #tpu.memory_space<vmem>> -> memref<128xi32, #tpu.memory_space<vmem>>
      %dma_wait3A_100 = arith.constant 0 : i32
      %dma_wait3A_101 = arith.constant 0 : i32
      %dma_wait3A_102 = tpu.memref_slice %arg2[%dma_wait3A_100, %dma_wait3A_101] : memref<50000x128xf32, #tpu.memory_space<hbm>> -> memref<50000x128xf32, #tpu.memory_space<hbm>>
      tpu.wait_indirect_dma semaphore(%arg15 : memref<!tpu.dma_semaphore, #tpu.memory_space<semaphore_mem>>) src(%dma_wait3A_102 : memref<50000x128xf32, #tpu.memory_space<hbm>>) dst(%arg6 : memref<128x128xf32, #tpu.memory_space<vmem>>)
      %mul3A_103 = arith.constant 128 : i32
      %mul3A_104 = arith.muli %add3A_92, %mul3A_103 : i32
      %add3A_105 = arith.addi %min3A_3, %mul3A_104 : i32
      %dma_start3A_106 = arith.constant 0 : i32
      %dma_start3A_107 = tpu.memref_slice %arg4[%add3A_105, %dma_start3A_106] : memref<100000x128xf32, #tpu.memory_space<hbm>> -> memref<128x128xf32, #tpu.memory_space<hbm>>
      %dma_start3A_108 = arith.constant 0 : i32
      %dma_start3A_109 = tpu.memref_slice %arg4[%add3A_105, %dma_start3A_108] : memref<100000x128xf32, #tpu.memory_space<hbm>> -> memref<128x128xf32, #tpu.memory_space<hbm>>
      tpu.enqueue_dma source(%arg6 : memref<128x128xf32, #tpu.memory_space<vmem>>) target(%dma_start3A_109 : memref<128x128xf32, #tpu.memory_space<hbm>>) target_semaphore(%arg21 : memref<!tpu.dma_semaphore, #tpu.memory_space<semaphore_mem>>)
      %add3A_110 = arith.constant 1 : i32
      %add3A_111 = arith.addi %add3A_90, %add3A_110 : i32
      %add3A_112 = arith.constant 4 : i32
      %add3A_113 = arith.addi %add3A_111, %add3A_112 : i32
      %lt3A_114 = arith.constant 24 : i32
      %lt3A_115 = arith.cmpi slt, %add3A_113, %lt3A_114 : i32
      %convert_element_type3A_116 = arith.extui %lt3A_115 : i1 to i32
      %cond3A_117 = arith.constant 0 : i32
      %cond3A_118 = arith.cmpi ne, %convert_element_type3A_116, %cond3A_117 : i32
      scf.if %cond3A_118 {
        %add3A_220 = arith.constant 4 : i32
        %add3A_221 = arith.addi %add3A_111, %add3A_220 : i32
        %ge3A = arith.constant 6 : i32
        %ge3A_222 = arith.cmpi sge, %add3A_221, %ge3A : i32
        %convert_element_type3A_223 = arith.extui %ge3A_222 : i1 to i32
        %cond3A_224 = arith.constant 0 : i32
        %cond3A_225 = arith.cmpi ne, %convert_element_type3A_223, %cond3A_224 : i32
        scf.if %cond3A_225 {
          %add3A_234 = arith.constant 4 : i32
          %add3A_235 = arith.addi %add3A_111, %add3A_234 : i32
          %sub3A = arith.constant 6 : i32
          %sub3A_236 = arith.subi %add3A_235, %sub3A : i32
          %mul3A_237 = arith.constant 128 : i32
          %mul3A_238 = arith.muli %sub3A_236, %mul3A_237 : i32
          %add3A_239 = arith.addi %min3A_3, %mul3A_238 : i32
          %dma_wait3A_240 = arith.constant 0 : i32
          %dma_wait3A_241 = tpu.memref_slice %arg4[%add3A_239, %dma_wait3A_240] : memref<100000x128xf32, #tpu.memory_space<hbm>> -> memref<128x128xf32, #tpu.memory_space<hbm>>
          %dma_wait3A_242 = arith.constant 0 : i32
          %dma_wait3A_243 = tpu.memref_slice %arg4[%add3A_239, %dma_wait3A_242] : memref<100000x128xf32, #tpu.memory_space<hbm>> -> memref<128x128xf32, #tpu.memory_space<hbm>>
          tpu.wait_dma2 semaphore(%arg26 : memref<!tpu.dma_semaphore, #tpu.memory_space<semaphore_mem>>) src(%arg11 : memref<128x128xf32, #tpu.memory_space<vmem>>) dst(%dma_wait3A_243 : memref<128x128xf32, #tpu.memory_space<hbm>>)
        } else {
        }
        %add3A_226 = arith.constant 4 : i32
        %add3A_227 = arith.addi %add3A_111, %add3A_226 : i32
        %mul3A_228 = arith.constant 128 : i32
        %mul3A_229 = arith.muli %add3A_227, %mul3A_228 : i32
        %dma_start3A_230 = tpu.memref_slice %arg5[%mul3A_229] : memref<3128xi32, #tpu.memory_space<vmem>> -> memref<128xi32, #tpu.memory_space<vmem>>
        %dma_start3A_231 = arith.constant 0 : i32
        %dma_start3A_232 = arith.constant 0 : i32
        %dma_start3A_233 = tpu.memref_slice %arg2[%dma_start3A_231, %dma_start3A_232] : memref<50000x128xf32, #tpu.memory_space<hbm>> -> memref<50000x128xf32, #tpu.memory_space<hbm>>
        tpu.enqueue_indirect_dma source(%dma_start3A_233 : memref<50000x128xf32, #tpu.memory_space<hbm>>) target(%arg11 : memref<128x128xf32, #tpu.memory_space<vmem>>) offsets(%dma_start3A_230 : memref<128xi32, #tpu.memory_space<vmem>>) semaphore(%arg20 : memref<!tpu.dma_semaphore, #tpu.memory_space<semaphore_mem>>)
      } else {
      }
      %mul3A_119 = arith.constant 128 : i32
      %mul3A_120 = arith.muli %add3A_111, %mul3A_119 : i32
      %dma_wait3A_121 = tpu.memref_slice %arg5[%mul3A_120] : memref<3128xi32, #tpu.memory_space<vmem>> -> memref<128xi32, #tpu.memory_space<vmem>>
      %dma_wait3A_122 = arith.constant 0 : i32
      %dma_wait3A_123 = arith.constant 0 : i32
      %dma_wait3A_124 = tpu.memref_slice %arg2[%dma_wait3A_122, %dma_wait3A_123] : memref<50000x128xf32, #tpu.memory_space<hbm>> -> memref<50000x128xf32, #tpu.memory_space<hbm>>
      tpu.wait_indirect_dma semaphore(%arg16 : memref<!tpu.dma_semaphore, #tpu.memory_space<semaphore_mem>>) src(%dma_wait3A_124 : memref<50000x128xf32, #tpu.memory_space<hbm>>) dst(%arg7 : memref<128x128xf32, #tpu.memory_space<vmem>>)
      %mul3A_125 = arith.constant 128 : i32
      %mul3A_126 = arith.muli %add3A_111, %mul3A_125 : i32
      %add3A_127 = arith.addi %min3A_3, %mul3A_126 : i32
      %dma_start3A_128 = arith.constant 0 : i32
      %dma_start3A_129 = tpu.memref_slice %arg4[%add3A_127, %dma_start3A_128] : memref<100000x128xf32, #tpu.memory_space<hbm>> -> memref<128x128xf32, #tpu.memory_space<hbm>>
      %dma_start3A_130 = arith.constant 0 : i32
      %dma_start3A_131 = tpu.memref_slice %arg4[%add3A_127, %dma_start3A_130] : memref<100000x128xf32, #tpu.memory_space<hbm>> -> memref<128x128xf32, #tpu.memory_space<hbm>>
      tpu.enqueue_dma source(%arg7 : memref<128x128xf32, #tpu.memory_space<vmem>>) target(%dma_start3A_131 : memref<128x128xf32, #tpu.memory_space<hbm>>) target_semaphore(%arg22 : memref<!tpu.dma_semaphore, #tpu.memory_space<semaphore_mem>>)
      %add3A_132 = arith.constant 2 : i32
      %add3A_133 = arith.addi %add3A_90, %add3A_132 : i32
      %add3A_134 = arith.constant 4 : i32
      %add3A_135 = arith.addi %add3A_133, %add3A_134 : i32
      %lt3A_136 = arith.constant 24 : i32
      %lt3A_137 = arith.cmpi slt, %add3A_135, %lt3A_136 : i32
      %convert_element_type3A_138 = arith.extui %lt3A_137 : i1 to i32
      %cond3A_139 = arith.constant 0 : i32
      %cond3A_140 = arith.cmpi ne, %convert_element_type3A_138, %cond3A_139 : i32
      scf.if %cond3A_140 {
        %add3A_220 = arith.constant 4 : i32
        %add3A_221 = arith.addi %add3A_133, %add3A_220 : i32
        %ge3A = arith.constant 6 : i32
        %ge3A_222 = arith.cmpi sge, %add3A_221, %ge3A : i32
        %convert_element_type3A_223 = arith.extui %ge3A_222 : i1 to i32
        %cond3A_224 = arith.constant 0 : i32
        %cond3A_225 = arith.cmpi ne, %convert_element_type3A_223, %cond3A_224 : i32
        scf.if %cond3A_225 {
          %add3A_234 = arith.constant 4 : i32
          %add3A_235 = arith.addi %add3A_133, %add3A_234 : i32
          %sub3A = arith.constant 6 : i32
          %sub3A_236 = arith.subi %add3A_235, %sub3A : i32
          %mul3A_237 = arith.constant 128 : i32
          %mul3A_238 = arith.muli %sub3A_236, %mul3A_237 : i32
          %add3A_239 = arith.addi %min3A_3, %mul3A_238 : i32
          %dma_wait3A_240 = arith.constant 0 : i32
          %dma_wait3A_241 = tpu.memref_slice %arg4[%add3A_239, %dma_wait3A_240] : memref<100000x128xf32, #tpu.memory_space<hbm>> -> memref<128x128xf32, #tpu.memory_space<hbm>>
          %dma_wait3A_242 = arith.constant 0 : i32
          %dma_wait3A_243 = tpu.memref_slice %arg4[%add3A_239, %dma_wait3A_242] : memref<100000x128xf32, #tpu.memory_space<hbm>> -> memref<128x128xf32, #tpu.memory_space<hbm>>
          tpu.wait_dma2 semaphore(%arg21 : memref<!tpu.dma_semaphore, #tpu.memory_space<semaphore_mem>>) src(%arg6 : memref<128x128xf32, #tpu.memory_space<vmem>>) dst(%dma_wait3A_243 : memref<128x128xf32, #tpu.memory_space<hbm>>)
        } else {
        }
        %add3A_226 = arith.constant 4 : i32
        %add3A_227 = arith.addi %add3A_133, %add3A_226 : i32
        %mul3A_228 = arith.constant 128 : i32
        %mul3A_229 = arith.muli %add3A_227, %mul3A_228 : i32
        %dma_start3A_230 = tpu.memref_slice %arg5[%mul3A_229] : memref<3128xi32, #tpu.memory_space<vmem>> -> memref<128xi32, #tpu.memory_space<vmem>>
        %dma_start3A_231 = arith.constant 0 : i32
        %dma_start3A_232 = arith.constant 0 : i32
        %dma_start3A_233 = tpu.memref_slice %arg2[%dma_start3A_231, %dma_start3A_232] : memref<50000x128xf32, #tpu.memory_space<hbm>> -> memref<50000x128xf32, #tpu.memory_space<hbm>>
        tpu.enqueue_indirect_dma source(%dma_start3A_233 : memref<50000x128xf32, #tpu.memory_space<hbm>>) target(%arg6 : memref<128x128xf32, #tpu.memory_space<vmem>>) offsets(%dma_start3A_230 : memref<128xi32, #tpu.memory_space<vmem>>) semaphore(%arg15 : memref<!tpu.dma_semaphore, #tpu.memory_space<semaphore_mem>>)
      } else {
      }
      %mul3A_141 = arith.constant 128 : i32
      %mul3A_142 = arith.muli %add3A_133, %mul3A_141 : i32
      %dma_wait3A_143 = tpu.memref_slice %arg5[%mul3A_142] : memref<3128xi32, #tpu.memory_space<vmem>> -> memref<128xi32, #tpu.memory_space<vmem>>
      %dma_wait3A_144 = arith.constant 0 : i32
      %dma_wait3A_145 = arith.constant 0 : i32
      %dma_wait3A_146 = tpu.memref_slice %arg2[%dma_wait3A_144, %dma_wait3A_145] : memref<50000x128xf32, #tpu.memory_space<hbm>> -> memref<50000x128xf32, #tpu.memory_space<hbm>>
      tpu.wait_indirect_dma semaphore(%arg17 : memref<!tpu.dma_semaphore, #tpu.memory_space<semaphore_mem>>) src(%dma_wait3A_146 : memref<50000x128xf32, #tpu.memory_space<hbm>>) dst(%arg8 : memref<128x128xf32, #tpu.memory_space<vmem>>)
      %mul3A_147 = arith.constant 128 : i32
      %mul3A_148 = arith.muli %add3A_133, %mul3A_147 : i32
      %add3A_149 = arith.addi %min3A_3, %mul3A_148 : i32
      %dma_start3A_150 = arith.constant 0 : i32
      %dma_start3A_151 = tpu.memref_slice %arg4[%add3A_149, %dma_start3A_150] : memref<100000x128xf32, #tpu.memory_space<hbm>> -> memref<128x128xf32, #tpu.memory_space<hbm>>
      %dma_start3A_152 = arith.constant 0 : i32
      %dma_start3A_153 = tpu.memref_slice %arg4[%add3A_149, %dma_start3A_152] : memref<100000x128xf32, #tpu.memory_space<hbm>> -> memref<128x128xf32, #tpu.memory_space<hbm>>
      tpu.enqueue_dma source(%arg8 : memref<128x128xf32, #tpu.memory_space<vmem>>) target(%dma_start3A_153 : memref<128x128xf32, #tpu.memory_space<hbm>>) target_semaphore(%arg23 : memref<!tpu.dma_semaphore, #tpu.memory_space<semaphore_mem>>)
      %add3A_154 = arith.constant 3 : i32
      %add3A_155 = arith.addi %add3A_90, %add3A_154 : i32
      %add3A_156 = arith.constant 4 : i32
      %add3A_157 = arith.addi %add3A_155, %add3A_156 : i32
      %lt3A_158 = arith.constant 24 : i32
      %lt3A_159 = arith.cmpi slt, %add3A_157, %lt3A_158 : i32
      %convert_element_type3A_160 = arith.extui %lt3A_159 : i1 to i32
      %cond3A_161 = arith.constant 0 : i32
      %cond3A_162 = arith.cmpi ne, %convert_element_type3A_160, %cond3A_161 : i32
      scf.if %cond3A_162 {
        %add3A_220 = arith.constant 4 : i32
        %add3A_221 = arith.addi %add3A_155, %add3A_220 : i32
        %ge3A = arith.constant 6 : i32
        %ge3A_222 = arith.cmpi sge, %add3A_221, %ge3A : i32
        %convert_element_type3A_223 = arith.extui %ge3A_222 : i1 to i32
        %cond3A_224 = arith.constant 0 : i32
        %cond3A_225 = arith.cmpi ne, %convert_element_type3A_223, %cond3A_224 : i32
        scf.if %cond3A_225 {
          %add3A_234 = arith.constant 4 : i32
          %add3A_235 = arith.addi %add3A_155, %add3A_234 : i32
          %sub3A = arith.constant 6 : i32
          %sub3A_236 = arith.subi %add3A_235, %sub3A : i32
          %mul3A_237 = arith.constant 128 : i32
          %mul3A_238 = arith.muli %sub3A_236, %mul3A_237 : i32
          %add3A_239 = arith.addi %min3A_3, %mul3A_238 : i32
          %dma_wait3A_240 = arith.constant 0 : i32
          %dma_wait3A_241 = tpu.memref_slice %arg4[%add3A_239, %dma_wait3A_240] : memref<100000x128xf32, #tpu.memory_space<hbm>> -> memref<128x128xf32, #tpu.memory_space<hbm>>
          %dma_wait3A_242 = arith.constant 0 : i32
          %dma_wait3A_243 = tpu.memref_slice %arg4[%add3A_239, %dma_wait3A_242] : memref<100000x128xf32, #tpu.memory_space<hbm>> -> memref<128x128xf32, #tpu.memory_space<hbm>>
          tpu.wait_dma2 semaphore(%arg22 : memref<!tpu.dma_semaphore, #tpu.memory_space<semaphore_mem>>) src(%arg7 : memref<128x128xf32, #tpu.memory_space<vmem>>) dst(%dma_wait3A_243 : memref<128x128xf32, #tpu.memory_space<hbm>>)
        } else {
        }
        %add3A_226 = arith.constant 4 : i32
        %add3A_227 = arith.addi %add3A_155, %add3A_226 : i32
        %mul3A_228 = arith.constant 128 : i32
        %mul3A_229 = arith.muli %add3A_227, %mul3A_228 : i32
        %dma_start3A_230 = tpu.memref_slice %arg5[%mul3A_229] : memref<3128xi32, #tpu.memory_space<vmem>> -> memref<128xi32, #tpu.memory_space<vmem>>
        %dma_start3A_231 = arith.constant 0 : i32
        %dma_start3A_232 = arith.constant 0 : i32
        %dma_start3A_233 = tpu.memref_slice %arg2[%dma_start3A_231, %dma_start3A_232] : memref<50000x128xf32, #tpu.memory_space<hbm>> -> memref<50000x128xf32, #tpu.memory_space<hbm>>
        tpu.enqueue_indirect_dma source(%dma_start3A_233 : memref<50000x128xf32, #tpu.memory_space<hbm>>) target(%arg7 : memref<128x128xf32, #tpu.memory_space<vmem>>) offsets(%dma_start3A_230 : memref<128xi32, #tpu.memory_space<vmem>>) semaphore(%arg16 : memref<!tpu.dma_semaphore, #tpu.memory_space<semaphore_mem>>)
      } else {
      }
      %mul3A_163 = arith.constant 128 : i32
      %mul3A_164 = arith.muli %add3A_155, %mul3A_163 : i32
      %dma_wait3A_165 = tpu.memref_slice %arg5[%mul3A_164] : memref<3128xi32, #tpu.memory_space<vmem>> -> memref<128xi32, #tpu.memory_space<vmem>>
      %dma_wait3A_166 = arith.constant 0 : i32
      %dma_wait3A_167 = arith.constant 0 : i32
      %dma_wait3A_168 = tpu.memref_slice %arg2[%dma_wait3A_166, %dma_wait3A_167] : memref<50000x128xf32, #tpu.memory_space<hbm>> -> memref<50000x128xf32, #tpu.memory_space<hbm>>
      tpu.wait_indirect_dma semaphore(%arg18 : memref<!tpu.dma_semaphore, #tpu.memory_space<semaphore_mem>>) src(%dma_wait3A_168 : memref<50000x128xf32, #tpu.memory_space<hbm>>) dst(%arg9 : memref<128x128xf32, #tpu.memory_space<vmem>>)
      %mul3A_169 = arith.constant 128 : i32
      %mul3A_170 = arith.muli %add3A_155, %mul3A_169 : i32
      %add3A_171 = arith.addi %min3A_3, %mul3A_170 : i32
      %dma_start3A_172 = arith.constant 0 : i32
      %dma_start3A_173 = tpu.memref_slice %arg4[%add3A_171, %dma_start3A_172] : memref<100000x128xf32, #tpu.memory_space<hbm>> -> memref<128x128xf32, #tpu.memory_space<hbm>>
      %dma_start3A_174 = arith.constant 0 : i32
      %dma_start3A_175 = tpu.memref_slice %arg4[%add3A_171, %dma_start3A_174] : memref<100000x128xf32, #tpu.memory_space<hbm>> -> memref<128x128xf32, #tpu.memory_space<hbm>>
      tpu.enqueue_dma source(%arg9 : memref<128x128xf32, #tpu.memory_space<vmem>>) target(%dma_start3A_175 : memref<128x128xf32, #tpu.memory_space<hbm>>) target_semaphore(%arg24 : memref<!tpu.dma_semaphore, #tpu.memory_space<semaphore_mem>>)
      %add3A_176 = arith.constant 4 : i32
      %add3A_177 = arith.addi %add3A_90, %add3A_176 : i32
      %add3A_178 = arith.constant 4 : i32
      %add3A_179 = arith.addi %add3A_177, %add3A_178 : i32
      %lt3A_180 = arith.constant 24 : i32
      %lt3A_181 = arith.cmpi slt, %add3A_179, %lt3A_180 : i32
      %convert_element_type3A_182 = arith.extui %lt3A_181 : i1 to i32
      %cond3A_183 = arith.constant 0 : i32
      %cond3A_184 = arith.cmpi ne, %convert_element_type3A_182, %cond3A_183 : i32
      scf.if %cond3A_184 {
        %add3A_220 = arith.constant 4 : i32
        %add3A_221 = arith.addi %add3A_177, %add3A_220 : i32
        %ge3A = arith.constant 6 : i32
        %ge3A_222 = arith.cmpi sge, %add3A_221, %ge3A : i32
        %convert_element_type3A_223 = arith.extui %ge3A_222 : i1 to i32
        %cond3A_224 = arith.constant 0 : i32
        %cond3A_225 = arith.cmpi ne, %convert_element_type3A_223, %cond3A_224 : i32
        scf.if %cond3A_225 {
          %add3A_234 = arith.constant 4 : i32
          %add3A_235 = arith.addi %add3A_177, %add3A_234 : i32
          %sub3A = arith.constant 6 : i32
          %sub3A_236 = arith.subi %add3A_235, %sub3A : i32
          %mul3A_237 = arith.constant 128 : i32
          %mul3A_238 = arith.muli %sub3A_236, %mul3A_237 : i32
          %add3A_239 = arith.addi %min3A_3, %mul3A_238 : i32
          %dma_wait3A_240 = arith.constant 0 : i32
          %dma_wait3A_241 = tpu.memref_slice %arg4[%add3A_239, %dma_wait3A_240] : memref<100000x128xf32, #tpu.memory_space<hbm>> -> memref<128x128xf32, #tpu.memory_space<hbm>>
          %dma_wait3A_242 = arith.constant 0 : i32
          %dma_wait3A_243 = tpu.memref_slice %arg4[%add3A_239, %dma_wait3A_242] : memref<100000x128xf32, #tpu.memory_space<hbm>> -> memref<128x128xf32, #tpu.memory_space<hbm>>
          tpu.wait_dma2 semaphore(%arg23 : memref<!tpu.dma_semaphore, #tpu.memory_space<semaphore_mem>>) src(%arg8 : memref<128x128xf32, #tpu.memory_space<vmem>>) dst(%dma_wait3A_243 : memref<128x128xf32, #tpu.memory_space<hbm>>)
        } else {
        }
        %add3A_226 = arith.constant 4 : i32
        %add3A_227 = arith.addi %add3A_177, %add3A_226 : i32
        %mul3A_228 = arith.constant 128 : i32
        %mul3A_229 = arith.muli %add3A_227, %mul3A_228 : i32
        %dma_start3A_230 = tpu.memref_slice %arg5[%mul3A_229] : memref<3128xi32, #tpu.memory_space<vmem>> -> memref<128xi32, #tpu.memory_space<vmem>>
        %dma_start3A_231 = arith.constant 0 : i32
        %dma_start3A_232 = arith.constant 0 : i32
        %dma_start3A_233 = tpu.memref_slice %arg2[%dma_start3A_231, %dma_start3A_232] : memref<50000x128xf32, #tpu.memory_space<hbm>> -> memref<50000x128xf32, #tpu.memory_space<hbm>>
        tpu.enqueue_indirect_dma source(%dma_start3A_233 : memref<50000x128xf32, #tpu.memory_space<hbm>>) target(%arg8 : memref<128x128xf32, #tpu.memory_space<vmem>>) offsets(%dma_start3A_230 : memref<128xi32, #tpu.memory_space<vmem>>) semaphore(%arg17 : memref<!tpu.dma_semaphore, #tpu.memory_space<semaphore_mem>>)
      } else {
      }
      %mul3A_185 = arith.constant 128 : i32
      %mul3A_186 = arith.muli %add3A_177, %mul3A_185 : i32
      %dma_wait3A_187 = tpu.memref_slice %arg5[%mul3A_186] : memref<3128xi32, #tpu.memory_space<vmem>> -> memref<128xi32, #tpu.memory_space<vmem>>
      %dma_wait3A_188 = arith.constant 0 : i32
      %dma_wait3A_189 = arith.constant 0 : i32
      %dma_wait3A_190 = tpu.memref_slice %arg2[%dma_wait3A_188, %dma_wait3A_189] : memref<50000x128xf32, #tpu.memory_space<hbm>> -> memref<50000x128xf32, #tpu.memory_space<hbm>>
      tpu.wait_indirect_dma semaphore(%arg19 : memref<!tpu.dma_semaphore, #tpu.memory_space<semaphore_mem>>) src(%dma_wait3A_190 : memref<50000x128xf32, #tpu.memory_space<hbm>>) dst(%arg10 : memref<128x128xf32, #tpu.memory_space<vmem>>)
      %mul3A_191 = arith.constant 128 : i32
      %mul3A_192 = arith.muli %add3A_177, %mul3A_191 : i32
      %add3A_193 = arith.addi %min3A_3, %mul3A_192 : i32
      %dma_start3A_194 = arith.constant 0 : i32
      %dma_start3A_195 = tpu.memref_slice %arg4[%add3A_193, %dma_start3A_194] : memref<100000x128xf32, #tpu.memory_space<hbm>> -> memref<128x128xf32, #tpu.memory_space<hbm>>
      %dma_start3A_196 = arith.constant 0 : i32
      %dma_start3A_197 = tpu.memref_slice %arg4[%add3A_193, %dma_start3A_196] : memref<100000x128xf32, #tpu.memory_space<hbm>> -> memref<128x128xf32, #tpu.memory_space<hbm>>
      tpu.enqueue_dma source(%arg10 : memref<128x128xf32, #tpu.memory_space<vmem>>) target(%dma_start3A_197 : memref<128x128xf32, #tpu.memory_space<hbm>>) target_semaphore(%arg25 : memref<!tpu.dma_semaphore, #tpu.memory_space<semaphore_mem>>)
      %add3A_198 = arith.constant 5 : i32
      %add3A_199 = arith.addi %add3A_90, %add3A_198 : i32
      %add3A_200 = arith.constant 4 : i32
      %add3A_201 = arith.addi %add3A_199, %add3A_200 : i32
      %lt3A_202 = arith.constant 24 : i32
      %lt3A_203 = arith.cmpi slt, %add3A_201, %lt3A_202 : i32
      %convert_element_type3A_204 = arith.extui %lt3A_203 : i1 to i32
      %cond3A_205 = arith.constant 0 : i32
      %cond3A_206 = arith.cmpi ne, %convert_element_type3A_204, %cond3A_205 : i32
      scf.if %cond3A_206 {
        %add3A_220 = arith.constant 4 : i32
        %add3A_221 = arith.addi %add3A_199, %add3A_220 : i32
        %ge3A = arith.constant 6 : i32
        %ge3A_222 = arith.cmpi sge, %add3A_221, %ge3A : i32
        %convert_element_type3A_223 = arith.extui %ge3A_222 : i1 to i32
        %cond3A_224 = arith.constant 0 : i32
        %cond3A_225 = arith.cmpi ne, %convert_element_type3A_223, %cond3A_224 : i32
        scf.if %cond3A_225 {
          %add3A_234 = arith.constant 4 : i32
          %add3A_235 = arith.addi %add3A_199, %add3A_234 : i32
          %sub3A = arith.constant 6 : i32
          %sub3A_236 = arith.subi %add3A_235, %sub3A : i32
          %mul3A_237 = arith.constant 128 : i32
          %mul3A_238 = arith.muli %sub3A_236, %mul3A_237 : i32
          %add3A_239 = arith.addi %min3A_3, %mul3A_238 : i32
          %dma_wait3A_240 = arith.constant 0 : i32
          %dma_wait3A_241 = tpu.memref_slice %arg4[%add3A_239, %dma_wait3A_240] : memref<100000x128xf32, #tpu.memory_space<hbm>> -> memref<128x128xf32, #tpu.memory_space<hbm>>
          %dma_wait3A_242 = arith.constant 0 : i32
          %dma_wait3A_243 = tpu.memref_slice %arg4[%add3A_239, %dma_wait3A_242] : memref<100000x128xf32, #tpu.memory_space<hbm>> -> memref<128x128xf32, #tpu.memory_space<hbm>>
          tpu.wait_dma2 semaphore(%arg24 : memref<!tpu.dma_semaphore, #tpu.memory_space<semaphore_mem>>) src(%arg9 : memref<128x128xf32, #tpu.memory_space<vmem>>) dst(%dma_wait3A_243 : memref<128x128xf32, #tpu.memory_space<hbm>>)
        } else {
        }
        %add3A_226 = arith.constant 4 : i32
        %add3A_227 = arith.addi %add3A_199, %add3A_226 : i32
        %mul3A_228 = arith.constant 128 : i32
        %mul3A_229 = arith.muli %add3A_227, %mul3A_228 : i32
        %dma_start3A_230 = tpu.memref_slice %arg5[%mul3A_229] : memref<3128xi32, #tpu.memory_space<vmem>> -> memref<128xi32, #tpu.memory_space<vmem>>
        %dma_start3A_231 = arith.constant 0 : i32
        %dma_start3A_232 = arith.constant 0 : i32
        %dma_start3A_233 = tpu.memref_slice %arg2[%dma_start3A_231, %dma_start3A_232] : memref<50000x128xf32, #tpu.memory_space<hbm>> -> memref<50000x128xf32, #tpu.memory_space<hbm>>
        tpu.enqueue_indirect_dma source(%dma_start3A_233 : memref<50000x128xf32, #tpu.memory_space<hbm>>) target(%arg9 : memref<128x128xf32, #tpu.memory_space<vmem>>) offsets(%dma_start3A_230 : memref<128xi32, #tpu.memory_space<vmem>>) semaphore(%arg18 : memref<!tpu.dma_semaphore, #tpu.memory_space<semaphore_mem>>)
      } else {
      }
      %mul3A_207 = arith.constant 128 : i32
      %mul3A_208 = arith.muli %add3A_199, %mul3A_207 : i32
      %dma_wait3A_209 = tpu.memref_slice %arg5[%mul3A_208] : memref<3128xi32, #tpu.memory_space<vmem>> -> memref<128xi32, #tpu.memory_space<vmem>>
      %dma_wait3A_210 = arith.constant 0 : i32
      %dma_wait3A_211 = arith.constant 0 : i32
      %dma_wait3A_212 = tpu.memref_slice %arg2[%dma_wait3A_210, %dma_wait3A_211] : memref<50000x128xf32, #tpu.memory_space<hbm>> -> memref<50000x128xf32, #tpu.memory_space<hbm>>
      tpu.wait_indirect_dma semaphore(%arg20 : memref<!tpu.dma_semaphore, #tpu.memory_space<semaphore_mem>>) src(%dma_wait3A_212 : memref<50000x128xf32, #tpu.memory_space<hbm>>) dst(%arg11 : memref<128x128xf32, #tpu.memory_space<vmem>>)
      %mul3A_213 = arith.constant 128 : i32
      %mul3A_214 = arith.muli %add3A_199, %mul3A_213 : i32
      %add3A_215 = arith.addi %min3A_3, %mul3A_214 : i32
      %dma_start3A_216 = arith.constant 0 : i32
      %dma_start3A_217 = tpu.memref_slice %arg4[%add3A_215, %dma_start3A_216] : memref<100000x128xf32, #tpu.memory_space<hbm>> -> memref<128x128xf32, #tpu.memory_space<hbm>>
      %dma_start3A_218 = arith.constant 0 : i32
      %dma_start3A_219 = tpu.memref_slice %arg4[%add3A_215, %dma_start3A_218] : memref<100000x128xf32, #tpu.memory_space<hbm>> -> memref<128x128xf32, #tpu.memory_space<hbm>>
      tpu.enqueue_dma source(%arg11 : memref<128x128xf32, #tpu.memory_space<vmem>>) target(%dma_start3A_219 : memref<128x128xf32, #tpu.memory_space<hbm>>) target_semaphore(%arg26 : memref<!tpu.dma_semaphore, #tpu.memory_space<semaphore_mem>>)
    }
    %scan3A_34 = arith.constant 4 : i32
    %dma_wait3A_35 = arith.constant 3072 : i32
    %dma_wait3A_36 = tpu.memref_slice %arg5[%dma_wait3A_35] : memref<3128xi32, #tpu.memory_space<vmem>> -> memref<56xi32, #tpu.memory_space<vmem>>
    %dma_wait3A_37 = arith.constant 0 : i32
    %dma_wait3A_38 = arith.constant 0 : i32
    %dma_wait3A_39 = tpu.memref_slice %arg2[%dma_wait3A_37, %dma_wait3A_38] : memref<50000x128xf32, #tpu.memory_space<hbm>> -> memref<50000x128xf32, #tpu.memory_space<hbm>>
    tpu.wait_indirect_dma semaphore(%arg14 : memref<!tpu.dma_semaphore, #tpu.memory_space<semaphore_mem>>) src(%dma_wait3A_39 : memref<50000x128xf32, #tpu.memory_space<hbm>>) dst(%arg12 : memref<56x128xf32, #tpu.memory_space<vmem>>)
    %add3A_40 = arith.constant 3072 : i32
    %add3A_41 = arith.addi %min3A_3, %add3A_40 : i32
    %dma_start3A_42 = arith.constant 0 : i32
    %dma_start3A_43 = tpu.memref_slice %arg4[%add3A_41, %dma_start3A_42] : memref<100000x128xf32, #tpu.memory_space<hbm>> -> memref<56x128xf32, #tpu.memory_space<hbm>>
    %dma_start3A_44 = arith.constant 0 : i32
    %dma_start3A_45 = tpu.memref_slice %arg4[%add3A_41, %dma_start3A_44] : memref<100000x128xf32, #tpu.memory_space<hbm>> -> memref<56x128xf32, #tpu.memory_space<hbm>>
    tpu.enqueue_dma source(%arg12 : memref<56x128xf32, #tpu.memory_space<vmem>>) target(%dma_start3A_45 : memref<56x128xf32, #tpu.memory_space<hbm>>) target_semaphore(%arg14 : memref<!tpu.dma_semaphore, #tpu.memory_space<semaphore_mem>>)
    %add3A_46 = arith.constant 0 : i32
    %add3A_47 = arith.addi %min3A_3, %add3A_46 : i32
    %dma_wait3A_48 = arith.constant 0 : i32
    %dma_wait3A_49 = tpu.memref_slice %arg4[%add3A_47, %dma_wait3A_48] : memref<100000x128xf32, #tpu.memory_space<hbm>> -> memref<128x128xf32, #tpu.memory_space<hbm>>
    %dma_wait3A_50 = arith.constant 0 : i32
    %dma_wait3A_51 = tpu.memref_slice %arg4[%add3A_47, %dma_wait3A_50] : memref<100000x128xf32, #tpu.memory_space<hbm>> -> memref<128x128xf32, #tpu.memory_space<hbm>>
    tpu.wait_dma2 semaphore(%arg21 : memref<!tpu.dma_semaphore, #tpu.memory_space<semaphore_mem>>) src(%arg6 : memref<128x128xf32, #tpu.memory_space<vmem>>) dst(%dma_wait3A_51 : memref<128x128xf32, #tpu.memory_space<hbm>>)
    %add3A_52 = arith.constant 0 : i32
    %add3A_53 = arith.addi %min3A_3, %add3A_52 : i32
    %dma_wait3A_54 = arith.constant 0 : i32
    %dma_wait3A_55 = tpu.memref_slice %arg4[%add3A_53, %dma_wait3A_54] : memref<100000x128xf32, #tpu.memory_space<hbm>> -> memref<128x128xf32, #tpu.memory_space<hbm>>
    %dma_wait3A_56 = arith.constant 0 : i32
    %dma_wait3A_57 = tpu.memref_slice %arg4[%add3A_53, %dma_wait3A_56] : memref<100000x128xf32, #tpu.memory_space<hbm>> -> memref<128x128xf32, #tpu.memory_space<hbm>>
    tpu.wait_dma2 semaphore(%arg22 : memref<!tpu.dma_semaphore, #tpu.memory_space<semaphore_mem>>) src(%arg7 : memref<128x128xf32, #tpu.memory_space<vmem>>) dst(%dma_wait3A_57 : memref<128x128xf32, #tpu.memory_space<hbm>>)
    %add3A_58 = arith.constant 0 : i32
    %add3A_59 = arith.addi %min3A_3, %add3A_58 : i32
    %dma_wait3A_60 = arith.constant 0 : i32
    %dma_wait3A_61 = tpu.memref_slice %arg4[%add3A_59, %dma_wait3A_60] : memref<100000x128xf32, #tpu.memory_space<hbm>> -> memref<128x128xf32, #tpu.memory_space<hbm>>
    %dma_wait3A_62 = arith.constant 0 : i32
    %dma_wait3A_63 = tpu.memref_slice %arg4[%add3A_59, %dma_wait3A_62] : memref<100000x128xf32, #tpu.memory_space<hbm>> -> memref<128x128xf32, #tpu.memory_space<hbm>>
    tpu.wait_dma2 semaphore(%arg23 : memref<!tpu.dma_semaphore, #tpu.memory_space<semaphore_mem>>) src(%arg8 : memref<128x128xf32, #tpu.memory_space<vmem>>) dst(%dma_wait3A_63 : memref<128x128xf32, #tpu.memory_space<hbm>>)
    %add3A_64 = arith.constant 0 : i32
    %add3A_65 = arith.addi %min3A_3, %add3A_64 : i32
    %dma_wait3A_66 = arith.constant 0 : i32
    %dma_wait3A_67 = tpu.memref_slice %arg4[%add3A_65, %dma_wait3A_66] : memref<100000x128xf32, #tpu.memory_space<hbm>> -> memref<128x128xf32, #tpu.memory_space<hbm>>
    %dma_wait3A_68 = arith.constant 0 : i32
    %dma_wait3A_69 = tpu.memref_slice %arg4[%add3A_65, %dma_wait3A_68] : memref<100000x128xf32, #tpu.memory_space<hbm>> -> memref<128x128xf32, #tpu.memory_space<hbm>>
    tpu.wait_dma2 semaphore(%arg24 : memref<!tpu.dma_semaphore, #tpu.memory_space<semaphore_mem>>) src(%arg9 : memref<128x128xf32, #tpu.memory_space<vmem>>) dst(%dma_wait3A_69 : memref<128x128xf32, #tpu.memory_space<hbm>>)
    %add3A_70 = arith.constant 0 : i32
    %add3A_71 = arith.addi %min3A_3, %add3A_70 : i32
    %dma_wait3A_72 = arith.constant 0 : i32
    %dma_wait3A_73 = tpu.memref_slice %arg4[%add3A_71, %dma_wait3A_72] : memref<100000x128xf32, #tpu.memory_space<hbm>> -> memref<128x128xf32, #tpu.memory_space<hbm>>
    %dma_wait3A_74 = arith.constant 0 : i32
    %dma_wait3A_75 = tpu.memref_slice %arg4[%add3A_71, %dma_wait3A_74] : memref<100000x128xf32, #tpu.memory_space<hbm>> -> memref<128x128xf32, #tpu.memory_space<hbm>>
    tpu.wait_dma2 semaphore(%arg25 : memref<!tpu.dma_semaphore, #tpu.memory_space<semaphore_mem>>) src(%arg10 : memref<128x128xf32, #tpu.memory_space<vmem>>) dst(%dma_wait3A_75 : memref<128x128xf32, #tpu.memory_space<hbm>>)
    %add3A_76 = arith.constant 0 : i32
    %add3A_77 = arith.addi %min3A_3, %add3A_76 : i32
    %dma_wait3A_78 = arith.constant 0 : i32
    %dma_wait3A_79 = tpu.memref_slice %arg4[%add3A_77, %dma_wait3A_78] : memref<100000x128xf32, #tpu.memory_space<hbm>> -> memref<128x128xf32, #tpu.memory_space<hbm>>
    %dma_wait3A_80 = arith.constant 0 : i32
    %dma_wait3A_81 = tpu.memref_slice %arg4[%add3A_77, %dma_wait3A_80] : memref<100000x128xf32, #tpu.memory_space<hbm>> -> memref<128x128xf32, #tpu.memory_space<hbm>>
    tpu.wait_dma2 semaphore(%arg26 : memref<!tpu.dma_semaphore, #tpu.memory_space<semaphore_mem>>) src(%arg11 : memref<128x128xf32, #tpu.memory_space<vmem>>) dst(%dma_wait3A_81 : memref<128x128xf32, #tpu.memory_space<hbm>>)
    %dma_wait3A_82 = arith.constant 0 : i32
    %dma_wait3A_83 = tpu.memref_slice %arg4[%min3A_3, %dma_wait3A_82] : memref<100000x128xf32, #tpu.memory_space<hbm>> -> memref<56x128xf32, #tpu.memory_space<hbm>>
    %dma_wait3A_84 = arith.constant 0 : i32
    %dma_wait3A_85 = tpu.memref_slice %arg4[%min3A_3, %dma_wait3A_84] : memref<100000x128xf32, #tpu.memory_space<hbm>> -> memref<56x128xf32, #tpu.memory_space<hbm>>
    tpu.wait_dma2 semaphore(%arg14 : memref<!tpu.dma_semaphore, #tpu.memory_space<semaphore_mem>>) src(%arg12 : memref<56x128xf32, #tpu.memory_space<vmem>>) dst(%dma_wait3A_85 : memref<56x128xf32, #tpu.memory_space<hbm>>)
    return
  }
}

</mosaic_0001>

<sc_bundles>
// kernel: kernel.3.cloned.1.call-start
scs
__scs_entry_jumppad:
0x0: {  	(pc) =	sbr.rel $0x88, $3  }
0x1: {  	(tag) =	ssettag $0x0;
	lr =	simm.s32 $0x1  }
0x2: {  	[smem:$0x3F9F] =	sst lr;
	_ =	strace $0xD0000000  }
0x3: {  	_ = 	snop  }
0x4: {  	_ = 	snop  }
0x5: {  	_ = 	snop  }
0x6: {  	_ = 	snop  }
0x7: {  	_ = 	snop  }
__scs_overlays_trampoline_lowered:
0x8: {  	[smem:$0x3FAE] =	sst s0  }
0x9: {  	[smem:$0x3FAF] =	sst s1  }
0xa: {  	[smem:$0x3FB0] =	sst s2  }
0xb: {  	[smem:$0x3FB1] =	sst s3  }
0xc: {  	[smem:$0x3FB2] =	sst s4  }
0xd: {  	[smem:$0x3FB3] =	sst s5  }
0xe: {  	[smem:$0x3FB4] =	sst s6  }
0xf: {  	[smem:$0x3FB5] =	sst s7  }
0x10: {  	[smem:$0x3FB6] =	sst s8  }
0x11: {  	[smem:$0x3FB7] =	sst s9;
	s0 =	simm.s32 @!p0 $0x0  }
0x12: {  	s1 =	sld [smem:$0x3F9D];
	s0 =	simm.s32 @p0 $0x1  }
0x13: {  	[smem:$0x3FB8] =	sst s0;
	s0 =	simm.s32 @!p1 $0x0  }
0x14: {  	s2 =	sld [smem:$0x3F9C];
	s0 =	simm.s32 @p1 $0x1  }
0x15: {  	[smem:$0x3FB9] =	sst s0;
	s0 =	simm.s32 @!p2 $0x0  }
0x16: {  	s3 =	sld [smem:$0x3FDB];
	s0 =	simm.s32 @p2 $0x1  }
0x17: {  	s4 =	simm.s32 $0x1BF5;
	[smem:$0x3FBB] =	sst s0  }
0x18: {  	s0 =	sld [smem:$0x3F9E];
	_ =	swait.ge [sflag:s4], $0x0  }
0x19: {  	s7 =	sld [smem:$0x3F9F]  }
0x1a: {  	s8 =	sadd.s32 $0xFFFFE003, lr  }
0x1b: {  	s9 =	sadd.s32 $0xFFFFFEF7, lr;
	s5 =	simm.s32 $0xFFFFFFFF;
	p2 =	slt.u32 s8, $0xFFFFF086  }
0x1c: {  	p1 =	slt.u32 s9, $0xF7A;
	s5 =	simm.s32 @!p2 $0x0  }
0x1d: {  	s5 =	simm.s32 @p1 $0x1;
	p0 =	seq.s32 s7, s2  }
0x1e: {  	s7 =	smul.u32 @!p0 $0xF7A, s2;
	p2 =	seq.s32 @!p0 s5, $0x0  }
0x1f: {  	s9 =	smul.u32 $0xF7A, s1;
	s8 =	simm.s32 @!p0 $0x1BF5;
	p2 =	por !p2, p0  }
0x20: {  	[sflag:s8] =	ssyncset.s32 @!p0 $0xFFFFF086;
	s6 =	sadd.s32 @!p0 s3, s7;
	s7 =	simm.s32 @!p0 $0x108  }
0x21: {  	s3 =	sadd.s32 s3, s9;
	s6 =	sadd.s32 @!p0 $0x88, s6;
	s7 =	simm.s32 @p2 $0x1082  }
0x22: {  	[simem:s7], [sflag:s8] =	dma.local @!p0 [hbm:s6], $0xF7A  }
0x23: {  	s9 =	sor.u32 $0xD0000000, s2;
	s6 =	simm.s32 $0x108;
	_ =	swait.ge @!p0 [sflag:s8], $0x0  }
0x24: {  	s3 =	sadd.s32 $0x88, s3;
	s6 =	simm.s32 @!p1 $0x1082;
	[sflag:s4] =	ssyncset.s32 $0xFFFFF086  }
0x25: {  	[simem:s6], [sflag:s4] =	dma.local [hbm:s3], $0xF7A  }
0x26: {  	[smem:$0x3F9F] =	sst s1;
	(tag) =	ssettag s2;
	_ =	strace s9  }
0x27: {  	s1 =	sld [smem:$0x3FAF]  }
0x28: {  	s2 =	sld [smem:$0x3FB0]  }
0x29: {  	s4 =	sld [smem:$0x3FB2]  }
0x2a: {  	p0 =	seq.s32 s5, $0x0;
	s5 =	sld [smem:$0x3FB3]  }
0x2b: {  	s6 =	sld [smem:$0x3FB4]  }
0x2c: {  	s7 =	sld [smem:$0x3FB5]  }
0x2d: {  	s3 =	simm.s32 $0x108;
	s8 =	sld [smem:$0x3FB6]  }
0x2e: {  	s3 =	simm.s32 @!p0 $0x1082;
	s9 =	sld [smem:$0x3FB7]  }
0x2f: {  	lr =	sadd.s32 s0, s3;
	s0 =	sld [smem:$0x3FAE]  }
0x30: {  	s3 =	sld [smem:$0x3FB1]  }
0x31: {  	[smem:$0x3FBA] =	sst s10  }
0x32: {  	s10 =	sld [smem:$0x3FB8];
	_ =	sdelay $0x3  }
0x33: {  	p0 =	seq.s32 s10, $0x1;
	s10 =	sld [smem:$0x3FBA];
	_ =	sdelay $0x3  }
0x34: {  	[smem:$0x3FBA] =	sst s10  }
0x35: {  	s10 =	sld [smem:$0x3FB9];
	_ =	sdelay $0x3  }
0x36: {  	p1 =	seq.s32 s10, $0x1;
	s10 =	sld [smem:$0x3FBA];
	_ =	sdelay $0x3  }
0x37: {  	[smem:$0x3FBA] =	sst s10  }
0x38: {  	s10 =	sld [smem:$0x3FBB]  }
0x39: {  	_ = 	snop;
	(pc) =	sbr.ind lr, $3  }
0x3a: {  	_ = 	snop  }
0x3b: {  	_ = 	snop  }
0x3c: {  	p2 =	seq.s32 s10, $0x1;
	s10 =	sld [smem:$0x3FBA]  }
0x3d: {  	_ =	shalt  }
0x3e: {  	_ =	shalt  }
0x3f: {  	_ =	shalt  }
0x40: {  	_ =	shalt  }
0x41: {  	_ =	shalt  }
0x42: {  	_ =	shalt  }
0x43: {  	_ =	shalt  }
0x44: {  	_ =	shalt  }
0x45: {  	_ =	shalt  }
0x46: {  	_ =	shalt  }
0x47: {  	_ =	shalt  }
0x48: {  	_ =	shalt  }
0x49: {  	_ =	shalt  }
0x4a: {  	_ =	shalt  }
0x4b: {  	_ =	shalt  }
0x4c: {  	_ =	shalt  }
0x4d: {  	_ =	shalt  }
0x4e: {  	_ =	shalt  }
0x4f: {  	_ =	shalt  }
0x50: {  	_ =	shalt  }
0x51: {  	_ =	shalt  }
0x52: {  	_ =	shalt  }
0x53: {  	_ =	shalt  }
0x54: {  	_ =	shalt  }
0x55: {  	_ =	shalt  }
0x56: {  	_ =	shalt  }
0x57: {  	_ =	shalt  }
0x58: {  	_ =	shalt  }
0x59: {  	_ =	shalt  }
0x5a: {  	_ =	shalt  }
0x5b: {  	_ =	shalt  }
0x5c: {  	_ =	shalt  }
0x5d: {  	_ =	shalt  }
0x5e: {  	_ =	shalt  }
0x5f: {  	_ =	shalt  }
0x60: {  	_ =	shalt  }
0x61: {  	_ =	shalt  }
0x62: {  	_ =	shalt  }
0x63: {  	_ =	shalt  }
0x64: {  	_ =	shalt  }
0x65: {  	_ =	shalt  }
0x66: {  	_ =	shalt  }
0x67: {  	_ =	shalt  }
0x68: {  	_ =	shalt  }
0x69: {  	_ =	shalt  }
0x6a: {  	_ =	shalt  }
0x6b: {  	_ =	shalt  }
0x6c: {  	_ =	shalt  }
0x6d: {  	_ =	shalt  }
0x6e: {  	_ =	shalt  }
0x6f: {  	_ =	shalt  }
0x70: {  	_ =	shalt  }
0x71: {  	_ =	shalt  }
0x72: {  	_ =	shalt  }
0x73: {  	_ =	shalt  }
0x74: {  	_ =	shalt  }
0x75: {  	_ =	shalt  }
0x76: {  	_ =	shalt  }
0x77: {  	_ =	shalt  }
0x78: {  	_ =	shalt  }
0x79: {  	_ =	shalt  }
0x7a: {  	_ =	shalt  }
0x7b: {  	_ =	shalt  }
0x7c: {  	_ =	shalt  }
0x7d: {  	_ =	shalt  }
0x7e: {  	_ =	shalt  }
0x7f: {  	_ =	shalt  }
0x80: {  	_ =	shalt  }
0x81: {  	_ =	shalt  }
0x82: {  	_ =	shalt  }
0x83: {  	_ =	shalt  }
0x84: {  	_ =	shalt  }
0x85: {  	_ =	shalt  }
0x86: {  	_ =	shalt  }
0x87: {  	_ =	shalt  }
.Lfunc_end0:
.L_simem_size_0:
called_computation_lowered:
.L_overlay_start_0:
0x88: {  	s2 =	sld [smem:$0x3FD9]  }
0x89: {  	s3 =	sld [smem:$0x3FFE];
	_ =	sdelay $0x1  }
0x8a: {  	s1 =	srdreg.scid  }
0x8b: {  	s0 =	sand.u32 $0x1, s1  }
0x8c: {  	s17 =	sshll.u32 s0, $0xA;
	s2 =	sadd.s32 s3, s2  }
0x8d: {  	s2 =	sadd.s32 s2, s17  }
0x8e: {  	[smem:$0x3FC6] =	sst s2  }
0x8f: {  	_ = 	snop  }
0x90: {  	s2 =	sld [smem:$0x3FC9]  }
0x91: {  	s18 =	sld [smem:$0x3FD0];
	(tm) =	ssettm $0x1  }
0x92: {  	s4 =	sld [smem:$0x3FFB];
	_ =	sdelay $0x3  }
0x93: {  	_ =	strace s4  }
0x94: {  	s4 =	sld [smem:$0x3FFC];
	_ =	sdelay $0x3  }
0x95: {  	_ =	strace s4  }
0x96: {  	s4 =	sld [smem:$0x3FFD];
	_ =	sdelay $0x3  }
0x97: {  	_ =	strace s4  }
0x98: {  	_ =	strace $0x8FFFFFFF  }
0x99: {  	s19 =	sld [smem:$0x3FDB];
	_ =	sdelay $0x1  }
0x9a: {  	s5 =	simm.s32 $_scs_section_size  }
0x9b: {  	s6 =	simm.s32 $_size__tile_overlayer_lowered;
	s7 =	simm.s32 $_tile_overlayer_lowered  }
0x9c: {  	s22 =	simm.s32 $0x1BFF;
	s21 =	sshll.u32 s7, $0x1;
	s4 =	sadd.s32 s5, s19  }
0x9d: {  	s8 =	simm.s32 $0x0;
	s20 =	sshll.u32 s6, $0x1;
	s6 =	sadd.s32 s21, s4  }
0x9e: {  	[timem:s8], [sflag:s22] =	dma.local [hbm:s6], s20  }
0x9f: {  	_ =	swait.ge [sflag:s22], s20  }
0xa0: {  	s5 =	ssub.s32 $0x0, s20;
	[sflag:s22] =	ssyncset.done $0x0  }
0xa1: {  	[sflag:s22] =	ssyncadd.s32 s5;
	_ =	sdelay $0x1  }
0xa2: {  	s23 =	simm.s32 $0x1B8B  }
0xa3: {  	_ =	swait.ge [sflag:s23], $0x1  }
0xa4: {  	[sflag:s23] =	ssyncset.done $0x0  }
0xa5: {  	s25 =	simm.s32 $0x1B8E;
	s24 =	sld [smem:$0x3FFE];
	[sflag:s23] =	ssyncadd.s32 $0xFFFFFFFF  }
0xa6: {  	s26 =	simm.s32 $execute0_lowered;
	[smem:$0x3FD2] =	sst s25  }
0xa7: {  	s6 =	sshll.u32 s26, $0x1;
	_ =	strace $0x80000046;
	[dreg:$0x1] =	wrdreg $0xFFFFFFFF  }
0xa8: {  	s28 =	simm.s32 $_size_execute0_lowered;
	s4 =	sadd.s32 s4, s6;
	[dreg:$0x0] =	wrdreg $0x0  }
0xa9: {  	s6 =	sshll.u32 s28, $0x1;
	[dreg:$0x2] =	wrdreg s4  }
0xaa: {  	[dreg:$0x3] =	wrdreg s6  }
0xab: {  	[dreg:$0x4] =	wrdreg $0xC0  }
0xac: {  	_ =	task [dreg:s8], $0x5FFFF  }
0xad: {  	[dreg:$0x1] =	wrdreg $0xFFFFFFFF  }
0xae: {  	[dreg:$0x0] =	wrdreg $0x60  }
0xaf: {  	[dreg:$0x2] =	wrdreg s2  }
0xb0: {  	[dreg:$0x3] =	wrdreg s24  }
0xb1: {  	[dreg:$0x4] =	wrdreg s18  }
0xb2: {  	[dreg:$0x5] =	wrdreg $0x9  }
0xb3: {  	_ =	task.clear_ibuf [dreg:s8], $0x6FFFF;
	_ =	strace $0x90000046  }
0xb4: {  	s29 =	simm.s32 $0x9;
	_ =	strace $0x80000048  }
0xb5: {  	_ =	swait.ge [sflag:s29], $0x1  }
0xb6: {  	[sflag:s29] =	ssyncadd.s32 $0xFFFFFFFF  }
0xb7: {  	_ =	strace $0x90000048  }
0xb8: {  	_ =	sfence  }
0xb9: {  	s30 =	sld [smem:$0x0];
	_ =	sdelay $0x2  }
0xba: {  	s31 =	sshll.u32 s1, $0xD;
	s1 =	sshrl.u32 s1, $0x2  }
0xbb: {  	s3 =	sand.u32 $0x4000, s31;
	s1 =	sadd.s32 s1, s30  }
0xbc: {  	s0 =	sor.u32 s3, s0;
	s1 =	sshll.u32 s1, $0x11  }
0xbd: {  	s0 =	sor.u32 s1, s0  }
0xbe: {  	s0 =	sadd.s32 $0x8F2B, s0  }
0xbf: {  	[sflag:s0] =	ssyncadd.remote.s32 $0x1  }
0xc0: {  	_ =	sfence.sel $0xFFFF  }
0xc1: {  	[dreg:$0x0] =	wrdreg $0xFFFFFFFF;
	(pc) =	sbr.abs _section_cstart, $3  }
0xc2: {  	[dreg:$0x1] =	wrdreg $0xFFFFFFFF  }
0xc3: {  	_ =	task.clear_ibuf [dreg:s8], $0x2FFFF;
	_ =	strace $0x9FFFFFFF  }
0xc4: {  	(tm) =	ssettm $0x7FFFFFFF  }
0xc5: {  	_ =	shalt  }
tec
execute0_lowered:
.L_overlay_start_1:
0x0: {  	(tag) =	ssettag $0x1  }
0x1: {  	s1 =	rddreg [dreg:$0x0]  }
0x2: {  	s0 =	rddreg [dreg:$0x1]  }
0x3: {  	s2 =	srdreg.scid;
	s7 =	stileid.u32  }
0x4: {  	s4 =	rddreg [dreg:$0x2];
	s3 =	simm.s32 $0x0;
	s12 =	simm.s32 $0x80  }
0x5: {  	s13 =	simm.s32 $0xC80;
	s14 =	simm.s32 $0x4C80;
	s29 =	simm.s32 $0x10C80  }
0x6: {  	s18 =	simm.s32 $0xCC80;
	s19 =	simm.s32 $0x3;
	s20 =	simm.s32 $0x14C80  }
0x7: {  	s21 =	simm.s32 $0x4;
	s22 =	simm.s32 $0x6;
	s30 =	simm.s32 $0xD  }
0x8: {  	s2 =	sand.u32 $0x1, s2;
	s5 =	sshll.u32 s7, $0x1;
	s7 =	smul.u32 $0x1870, s7  }
0x9: {  	s5 =	sor.u32 s2, s5;
	s6 =	ssub.s32 $0x2, s2;
	s2 =	smul.u32 $0xC38, s2  }
0xa: {  	s31 =	simm.s32 $0xE;
	[smem:$0x7FF] =	sst s3;
	s5 =	smul.u32 $0xC38, s5  }
0xb: {  	_ =	strace $0x80000047;
	[dreg:$0x4] =	wrdreg s29;
	s8 =	sshrl.u32 s6, $0x1  }
0xc: {  	s6 =	ssub.s32 s6, s8;
	s2 =	sadd.s32 s2, s7;
	s5 =	smin.u32 s5, $0x17A68  }
0xd: {  	s2 =	smin.u32 s2, $0x17A68;
	s26 =	smax.u32 s6, $0x1;
	s23 =	sshrl.u32 s5, $0x3  }
0xe: {  	s5 =	sshll.u32 s5, $0x4;
	s2 =	sshll.u32 s2, $0x4;
	[dreg:$0x9] =	wrdreg s26  }
0xf: {  	s0 =	sadd.s32 s0, s23;
	s24 =	sadd.s32 s4, s5;
	s28 =	sadd.s32 s2, s4  }
0x10: {  	s23 =	simm.s32 $0x8;
	[dreg:$0x7] =	wrdreg s0;
	s5 =	sadd.s32 $0xC000, s24  }
0x11: {  	s2 =	simm.s32 $0x0;
	s25 =	sadd.s32 $0xA000, s24;
	[dreg:$0x8] =	wrdreg s5  }
0x12: {  	s0 =	sadd.s32 $0xB000, s24;
	s7 =	sadd.s32 $0x1800, s28;
	[dreg:$0x5] =	wrdreg s25  }
0x13: {  	s24 =	simm.s32 $0x2;
	[dreg:$0x6] =	wrdreg s0;
	s5 =	simm.s32 $0x18C80  }
.LBB2_1:
0x14: {  	s0 =	rddreg [dreg:$0x7];
	s9 =	simm.s32 $0x1  }
0x15: {  	[tilespmem:s3], [sflag:$0x1] =	stream.linear.gather [hbm4b:s0+s3], $0xC38, $0x38;
	[tilespmem:$0x1A880] =	vst v63  }
0x16: {  	_ =	swait.ge [sflag:s9], $0xC38  }
0x17: {  	[sflag:s9] =	ssyncset.done $0x0  }
0x18: {  	s10 =	simm.s32 $0x38;
	s4 =	simm.s32 $0xC00;
	[sflag:s9] =	ssyncadd.s32 $0xFFFFF3C8  }
0x19: {  	[tilespmem:s5], [sflag:$0x2] =	stream.indirect.gather [hbm4b:s1+s10], $0x80, s4, s10, $0xb8;
	[tilespmem:$0x1A880] =	vst v63  }
0x1a: {  	_ = 	snop  }
0x1b: {  	[tilespmem:s13], [sflag:$0x3] =	stream.indirect.gather [hbm4b:s1+s12], $0x80, s3, s12, $0xb8;
	[tilespmem:$0x1A880] =	vst v63  }
0x1c: {  	_ = 	snop  }
0x1d: {  	[tilespmem:s14], [sflag:$0x4] =	stream.indirect.gather [hbm4b:s1+s12], $0x80, s12, s12, $0xb8;
	[tilespmem:$0x1A880] =	vst v63  }
0x1e: {  	s11 =	simm.s32 $0x100;
	s15 =	simm.s32 $0x8C80;
	p0 =	por $0x1, $0x1  }
0x1f: {  	[tilespmem:s15], [sflag:$0x5] =	stream.indirect.gather [hbm4b:s1+s12], $0x80, s11, s12, $0xb8;
	[tilespmem:$0x1A880] =	vst v63  }
0x20: {  	s16 =	simm.s32 $0x180;
	s0 =	simm.s32 @!p0 $0xD  }
0x21: {  	[tilespmem:s18], [sflag:$0x6] =	stream.indirect.gather [hbm4b:s1+s12], $0x80, s16, s12, $0xb8;
	[tilespmem:$0x1A880] =	vst v63  }
0x22: {  	_ =	swait.ge @!p0 [sflag:s0], $0x4000  }
0x23: {  	[sflag:s0] =	ssyncset.done @!p0 $0x0  }
0x24: {  	s25 =	simm.s32 $0x200;
	s17 =	rddreg [dreg:$0x4];
	[sflag:s0] =	ssyncadd.s32 @!p0 $0xFFFFC000  }
0x25: {  	[tilespmem:s17], [sflag:$0x7] =	stream.indirect.gather [hbm4b:s1+s12], $0x80, s25, s12, $0xb8;
	[tilespmem:$0x1A880] =	vst v63  }
0x26: {  	_ =	swait.ge [sflag:s19], $0x4000  }
0x27: {  	[sflag:s19] =	ssyncset.done $0x0  }
0x28: {  	s26 =	sadd.s32 $0xFFFFE800, s7;
	s4 =	simm.s32 @!p0 $0xE;
	[sflag:s19] =	ssyncadd.s32 $0xFFFFC000  }
0x29: {  	[hbm4b:s26+s3] =	stream.linear.scatter [tilespmem:s13], [sflag:$0x9], $0x4000, $0x38;
	[tilespmem:$0x1A880] =	vst v63  }
0x2a: {  	_ =	swait.ge @!p0 [sflag:s4], $0x4000  }
0x2b: {  	[sflag:s4] =	ssyncset.done @!p0 $0x0  }
0x2c: {  	s28 =	simm.s32 $0x280;
	[sflag:s4] =	ssyncadd.s32 @!p0 $0xFFFFC000  }
0x2d: {  	[tilespmem:s20], [sflag:$0x8] =	stream.indirect.gather [hbm4b:s1+s12], $0x80, s28, s12, $0xb8;
	[tilespmem:$0x1A880] =	vst v63  }
0x2e: {  	_ =	swait.ge [sflag:s21], $0x4000  }
0x2f: {  	p0 =	por $0x0, $0x0;
	[sflag:s21] =	ssyncset.done $0x0  }
0x30: {  	s29 =	sadd.s32 $0xFFFFF000, s7;
	s4 =	simm.s32 @p0 $0x5;
	[sflag:s21] =	ssyncadd.s32 $0xFFFFC000  }
0x31: {  	[hbm4b:s29+s3] =	stream.linear.scatter [tilespmem:s14], [sflag:$0xA], $0x4000, $0x38;
	[tilespmem:$0x1A880] =	vst v63  }
0x32: {  	_ =	swait.ge @p0 [sflag:s4], $0x4000  }
0x33: {  	s5 =	simm.s32 @p0 $0x8C80;
	s6 =	simm.s32 @!p0 $0x9;
	[sflag:s4] =	ssyncset.done @p0 $0x0  }
0x34: {  	s0 =	rddreg [dreg:$0x5];
	[sflag:s4] =	ssyncadd.s32 @p0 $0xFFFFC000;
	s4 =	simm.s32 @p0 $0x0  }
0x35: {  	[hbm4b:s0+s4] =	stream.linear.scatter @p0 [tilespmem:s5], [sflag:$0xB], $0x4000, $0x38;
	[tilespmem:$0x1A880] =	vst v63  }
0x36: {  	_ =	swait.ge @!p0 [sflag:s6], $0x4000  }
0x37: {  	s9 =	simm.s32 @!p0 $0xC80;
	s0 =	simm.s32 @!p0 $0x300;
	[sflag:s6] =	ssyncset.done @!p0 $0x0  }
0x38: {  	s5 =	simm.s32 @!p0 $0x80;
	[sflag:s6] =	ssyncadd.s32 @!p0 $0xFFFFC000;
	s6 =	simm.s32 @!p0 $0x5  }
0x39: {  	[tilespmem:s9], [sflag:$0x3] =	stream.indirect.gather @!p0 [hbm4b:s1+s5], $0x80, s0, s5, $0xb8;
	[tilespmem:$0x1A880] =	vst v63  }
0x3a: {  	_ =	swait.ge @!p0 [sflag:s6], $0x4000  }
0x3b: {  	s10 =	simm.s32 @!p0 $0x0;
	s0 =	simm.s32 @!p0 $0x8C80;
	[sflag:s6] =	ssyncset.done @!p0 $0x0  }
0x3c: {  	s9 =	sadd.s32 @!p0 $0xFFFFF800, s7;
	[sflag:s6] =	ssyncadd.s32 @!p0 $0xFFFFC000;
	s6 =	simm.s32 @!p0 $0xA  }
0x3d: {  	[hbm4b:s9+s10] =	stream.linear.scatter @!p0 [tilespmem:s0], [sflag:$0xB], $0x4000, $0x38;
	[tilespmem:$0x1A880] =	vst v63  }
0x3e: {  	_ =	swait.ge @!p0 [sflag:s6], $0x4000  }
0x3f: {  	[sflag:s6] =	ssyncset.done @!p0 $0x0  }
0x40: {  	s9 =	simm.s32 @!p0 $0x380;
	[sflag:s6] =	ssyncadd.s32 @!p0 $0xFFFFC000;
	s6 =	simm.s32 @!p0 $0x4C80  }
0x41: {  	[tilespmem:s6], [sflag:$0x4] =	stream.indirect.gather @!p0 [hbm4b:s1+s5], $0x80, s9, s5, $0xb8;
	[tilespmem:$0x1A880] =	vst v63  }
0x42: {  	_ =	swait.ge [sflag:s22], $0x4000  }
0x43: {  	[sflag:s22] =	ssyncset.done $0x0  }
0x44: {  	s6 =	simm.s32 @p0 $0x7;
	[sflag:s22] =	ssyncadd.s32 $0xFFFFC000  }
0x45: {  	[hbm4b:s7+s3] =	stream.linear.scatter [tilespmem:s18], [sflag:$0xC], $0x4000, $0x38;
	[tilespmem:$0x1A880] =	vst v63  }
0x46: {  	_ =	swait.ge @p0 [sflag:s6], $0x4000  }
0x47: {  	[sflag:s6] =	ssyncset.done @p0 $0x0  }
0x48: {  	s9 =	rddreg [dreg:$0x6];
	[sflag:s6] =	ssyncadd.s32 @p0 $0xFFFFC000;
	s6 =	simm.s32 @p0 $0x10C80  }
0x49: {  	[hbm4b:s9+s4] =	stream.linear.scatter @p0 [tilespmem:s6], [sflag:$0xD], $0x4000, $0x38;
	[tilespmem:$0x1A880] =	vst v63  }
0x4a: {  	s4 =	simm.s32 @!p0 $0xB  }
0x4b: {  	_ =	swait.ge @!p0 [sflag:s4], $0x4000  }
0x4c: {  	[sflag:s4] =	ssyncset.done @!p0 $0x0  }
0x4d: {  	s6 =	simm.s32 @!p0 $0x400;
	[sflag:s4] =	ssyncadd.s32 @!p0 $0xFFFFC000;
	s4 =	simm.s32 @!p0 $0x7  }
0x4e: {  	[tilespmem:s0], [sflag:$0x5] =	stream.indirect.gather @!p0 [hbm4b:s1+s5], $0x80, s6, s5, $0xb8;
	[tilespmem:$0x1A880] =	vst v63  }
0x4f: {  	_ =	swait.ge @!p0 [sflag:s4], $0x4000  }
0x50: {  	p1 =	por $0x0, $0x0;
	s0 =	sadd.s32 @!p0 $0x800, s7;
	[sflag:s4] =	ssyncset.done @!p0 $0x0  }
0x51: {  	s6 =	simm.s32 @!p0 $0x10C80;
	[sflag:s4] =	ssyncadd.s32 @!p0 $0xFFFFC000;
	s4 =	simm.s32 @!p0 $0xC  }
0x52: {  	[hbm4b:s0+s10] =	stream.linear.scatter @!p0 [tilespmem:s6], [sflag:$0xD], $0x4000, $0x38;
	[tilespmem:$0x1A880] =	vst v63  }
0x53: {  	s15 =	sadd.s32 $0x1000, s7;
	s9 =	sadd.s32 $0x3000, s7;
	_ =	swait.ge @!p0 [sflag:s4], $0x4000  }
0x54: {  	s16 =	simm.s32 $0x1800;
	s17 =	sadd.s32 $0x3000, s9;
	[sflag:s4] =	ssyncset.done @!p0 $0x0  }
0x55: {  	s0 =	simm.s32 @!p0 $0x480;
	s6 =	simm.s32 @!p0 $0xCC80;
	[sflag:s4] =	ssyncadd.s32 @!p0 $0xFFFFC000  }
0x56: {  	[tilespmem:s6], [sflag:$0x6] =	stream.indirect.gather @!p0 [hbm4b:s1+s5], $0x80, s0, s5, $0xb8;
	[tilespmem:$0x1A880] =	vst v63  }
0x57: {  	s10 =	simm.s32 $0xC00;
	s0 =	sadd.s32 $0x1000, s9;
	_ =	swait.ge [sflag:s23], $0x4000  }
.LBB2_2:
0x58: {  	[sflag:s23] =	ssyncset.done $0x0  }
0x59: {  	s4 =	simm.s32 @!p1 $0xD;
	[sflag:s23] =	ssyncadd.s32 $0xFFFFC000  }
0x5a: {  	[hbm4b:s15+s3] =	stream.linear.scatter [tilespmem:s20], [sflag:$0xE], $0x4000, $0x38;
	[tilespmem:$0x1A880] =	vst v63  }
0x5b: {  	_ =	swait.ge @!p1 [sflag:s4], $0x4000  }
0x5c: {  	s8 =	sshra.s32 s10, $0x2;
	[sflag:s4] =	ssyncset.done @!p1 $0x0  }
0x5d: {  	s25 =	sadd.s32 $0x200, s8;
	s11 =	rddreg [dreg:$0x4];
	[sflag:s4] =	ssyncadd.s32 @!p1 $0xFFFFC000  }
0x5e: {  	[tilespmem:s11], [sflag:$0x7] =	stream.indirect.gather [hbm4b:s1+s12], $0x80, s25, s12, $0xb8;
	[tilespmem:$0x1A880] =	vst v63  }
0x5f: {  	_ =	swait.ge [sflag:s19], $0x4000  }
0x60: {  	[sflag:s19] =	ssyncset.done $0x0  }
0x61: {  	s26 =	sadd.s32 $0xFFFFE800, s9;
	s11 =	simm.s32 @!p1 $0xE;
	[sflag:s19] =	ssyncadd.s32 $0xFFFFC000  }
0x62: {  	[hbm4b:s26+s3] =	stream.linear.scatter [tilespmem:s13], [sflag:$0x9], $0x4000, $0x38;
	[tilespmem:$0x1A880] =	vst v63  }
0x63: {  	_ =	swait.ge @!p1 [sflag:s11], $0x4000  }
0x64: {  	s5 =	smov.u32 s16;
	[sflag:s11] =	ssyncset.done @!p1 $0x0  }
0x65: {  	s6 =	sadd.s32 $0x1000, s17;
	s28 =	sadd.s32 $0x280, s8;
	[sflag:s11] =	ssyncadd.s32 @!p1 $0xFFFFC000  }
0x66: {  	[tilespmem:s20], [sflag:$0x8] =	stream.indirect.gather [hbm4b:s1+s12], $0x80, s28, s12, $0xb8;
	[tilespmem:$0x1A880] =	vst v63  }
0x67: {  	s29 =	sadd.s32 $0xFFFFF000, s9;
	s15 =	smov.u32 s0;
	_ =	swait.ge [sflag:s21], $0x4000  }
0x68: {  	s0 =	smov.u32 s6;
	p1 =	seq.s32 s10, $0x2400;
	[sflag:s21] =	ssyncset.done $0x0  }
0x69: {  	s11 =	simm.s32 @p1 $0x5;
	s10 =	sshra.s32 @!p1 s10, $0x2;
	[sflag:s21] =	ssyncadd.s32 $0xFFFFC000  }
0x6a: {  	[hbm4b:s29+s3] =	stream.linear.scatter [tilespmem:s14], [sflag:$0xA], $0x4000, $0x38;
	[tilespmem:$0x1A880] =	vst v63  }
0x6b: {  	s28 =	simm.s32 @p1 $0x8C80;
	s8 =	sadd.s32 @!p1 $0x300, s10;
	_ =	swait.ge @p1 [sflag:s11], $0x4000  }
0x6c: {  	s25 =	sadd.s32 @!p1 $0x380, s10;
	s29 =	simm.s32 @!p1 $0x9;
	[sflag:s11] =	ssyncset.done @p1 $0x0  }
0x6d: {  	s26 =	rddreg [dreg:$0x5];
	[sflag:s11] =	ssyncadd.s32 @p1 $0xFFFFC000;
	s11 =	simm.s32 @p1 $0x0  }
0x6e: {  	[hbm4b:s26+s11] =	stream.linear.scatter @p1 [tilespmem:s28], [sflag:$0xB], $0x4000, $0x38;
	[tilespmem:$0x1A880] =	vst v63  }
0x6f: {  	s6 =	sadd.s32 @!p1 $0x400, s10;
	s4 =	sadd.s32 @!p1 $0x480, s10;
	_ =	swait.ge @!p1 [sflag:s29], $0x4000  }
0x70: {  	s10 =	smov.u32 s5;
	s5 =	simm.s32 @!p1 $0x80;
	[sflag:s29] =	ssyncset.done @!p1 $0x0  }
0x71: {  	s26 =	simm.s32 @!p1 $0xC80;
	s28 =	simm.s32 @!p1 $0x5;
	[sflag:s29] =	ssyncadd.s32 @!p1 $0xFFFFC000  }
0x72: {  	[tilespmem:s26], [sflag:$0x3] =	stream.indirect.gather @!p1 [hbm4b:s1+s5], $0x80, s8, s5, $0xb8;
	[tilespmem:$0x1A880] =	vst v63  }
0x73: {  	_ =	swait.ge @!p1 [sflag:s28], $0x4000  }
0x74: {  	s29 =	simm.s32 @!p1 $0x0;
	s8 =	simm.s32 @!p1 $0x8C80;
	[sflag:s28] =	ssyncset.done @!p1 $0x0  }
0x75: {  	s26 =	sadd.s32 @!p1 $0xFFFFF800, s9;
	[sflag:s28] =	ssyncadd.s32 @!p1 $0xFFFFC000;
	s28 =	simm.s32 @!p1 $0xA  }
0x76: {  	[hbm4b:s26+s29] =	stream.linear.scatter @!p1 [tilespmem:s8], [sflag:$0xB], $0x4000, $0x38;
	[tilespmem:$0x1A880] =	vst v63  }
0x77: {  	_ =	swait.ge @!p1 [sflag:s28], $0x4000  }
0x78: {  	[sflag:s28] =	ssyncset.done @!p1 $0x0  }
0x79: {  	s26 =	simm.s32 @!p1 $0x4C80;
	[sflag:s28] =	ssyncadd.s32 @!p1 $0xFFFFC000  }
0x7a: {  	[tilespmem:s26], [sflag:$0x4] =	stream.indirect.gather @!p1 [hbm4b:s1+s5], $0x80, s25, s5, $0xb8;
	[tilespmem:$0x1A880] =	vst v63  }
0x7b: {  	_ =	swait.ge [sflag:s22], $0x4000  }
0x7c: {  	[sflag:s22] =	ssyncset.done $0x0  }
0x7d: {  	s25 =	simm.s32 @p1 $0x7;
	[sflag:s22] =	ssyncadd.s32 $0xFFFFC000  }
0x7e: {  	[hbm4b:s9+s3] =	stream.linear.scatter [tilespmem:s18], [sflag:$0xC], $0x4000, $0x38;
	[tilespmem:$0x1A880] =	vst v63  }
0x7f: {  	_ =	swait.ge @p1 [sflag:s25], $0x4000  }
0x80: {  	s28 =	simm.s32 @!p1 $0xB;
	[sflag:s25] =	ssyncset.done @p1 $0x0  }
0x81: {  	s26 =	rddreg [dreg:$0x6];
	[sflag:s25] =	ssyncadd.s32 @p1 $0xFFFFC000;
	s25 =	simm.s32 @p1 $0x10C80  }
0x82: {  	[hbm4b:s26+s11] =	stream.linear.scatter @p1 [tilespmem:s25], [sflag:$0xD], $0x4000, $0x38;
	[tilespmem:$0x1A880] =	vst v63  }
0x83: {  	_ =	swait.ge @!p1 [sflag:s28], $0x4000  }
0x84: {  	[sflag:s28] =	ssyncset.done @!p1 $0x0  }
0x85: {  	s11 =	simm.s32 @!p1 $0x7;
	[sflag:s28] =	ssyncadd.s32 @!p1 $0xFFFFC000  }
0x86: {  	[tilespmem:s8], [sflag:$0x5] =	stream.indirect.gather @!p1 [hbm4b:s1+s5], $0x80, s6, s5, $0xb8;
	[tilespmem:$0x1A880] =	vst v63  }
0x87: {  	s16 =	sadd.s32 $0xC00, s16;
	_ =	swait.ge @!p1 [sflag:s11], $0x4000  }
0x88: {  	p0 =	sne.s32 s16, $0x3000;
	s6 =	sadd.s32 @!p1 $0x800, s9;
	[sflag:s11] =	ssyncset.done @!p1 $0x0  }
0x89: {  	s8 =	simm.s32 @!p1 $0x10C80;
	[sflag:s11] =	ssyncadd.s32 @!p1 $0xFFFFC000;
	s11 =	simm.s32 @!p1 $0xC  }
0x8a: {  	[hbm4b:s6+s29] =	stream.linear.scatter @!p1 [tilespmem:s8], [sflag:$0xD], $0x4000, $0x38;
	[tilespmem:$0x1A880] =	vst v63  }
.Ltmp0:
0x8b: {  	_ =	swait.ge @!p1 [sflag:s11], $0x4000;
	(pc) =	sbr.rel @p0 .LBB2_2-.Ltmp0, $4  }
0x8c: {  	[sflag:s11] =	ssyncset.done @!p1 $0x0  }
0x8d: {  	s9 =	smov.u32 s17;
	s6 =	simm.s32 @!p1 $0xCC80;
	[sflag:s11] =	ssyncadd.s32 @!p1 $0xFFFFC000  }
0x8e: {  	[tilespmem:s6], [sflag:$0x6] =	stream.indirect.gather @!p1 [hbm4b:s1+s5], $0x80, s4, s5, $0xb8;
	[tilespmem:$0x1A880] =	vst v63  }
0x8f: {  	s17 =	sadd.s32 $0x3000, s17;
	p1 =	seq.s32 s10, $0x0;
	_ =	swait.ge [sflag:s23], $0x4000  }
0x90: {  	[sflag:s23] =	ssyncset.done $0x0  }
0x91: {  	s4 =	simm.s32 @!p1 $0xD;
	[sflag:s23] =	ssyncadd.s32 $0xFFFFC000  }
0x92: {  	[hbm4b:s15+s3] =	stream.linear.scatter [tilespmem:s20], [sflag:$0xE], $0x4000, $0x38;
	[tilespmem:$0x1A880] =	vst v63  }
0x93: {  	_ =	swait.ge @!p1 [sflag:s4], $0x4000  }
0x94: {  	s6 =	sshra.s32 s10, $0x2;
	[sflag:s4] =	ssyncset.done @!p1 $0x0  }
0x95: {  	s29 =	sadd.s32 $0x200, s6;
	s5 =	rddreg [dreg:$0x4];
	[sflag:s4] =	ssyncadd.s32 @!p1 $0xFFFFC000  }
0x96: {  	[tilespmem:s5], [sflag:$0x7] =	stream.indirect.gather [hbm4b:s1+s12], $0x80, s29, s12, $0xb8;
	[tilespmem:$0x1A880] =	vst v63  }
0x97: {  	_ =	swait.ge [sflag:s19], $0x4000  }
0x98: {  	[sflag:s19] =	ssyncset.done $0x0  }
0x99: {  	s8 =	sadd.s32 $0xFFFFE800, s9;
	s5 =	simm.s32 @!p1 $0xE;
	[sflag:s19] =	ssyncadd.s32 $0xFFFFC000  }
0x9a: {  	[hbm4b:s8+s3] =	stream.linear.scatter [tilespmem:s13], [sflag:$0x9], $0x4000, $0x38;
	[tilespmem:$0x1A880] =	vst v63  }
0x9b: {  	_ =	swait.ge @!p1 [sflag:s5], $0x4000  }
0x9c: {  	[sflag:s5] =	ssyncset.done @!p1 $0x0  }
0x9d: {  	s11 =	sadd.s32 $0x280, s6;
	[sflag:s5] =	ssyncadd.s32 @!p1 $0xFFFFC000  }
0x9e: {  	[tilespmem:s20], [sflag:$0x8] =	stream.indirect.gather [hbm4b:s1+s12], $0x80, s11, s12, $0xb8;
	[tilespmem:$0x1A880] =	vst v63  }
0x9f: {  	_ =	swait.ge [sflag:s21], $0x4000  }
0xa0: {  	p0 =	seq.s32 s10, $0x2400;
	[sflag:s21] =	ssyncset.done $0x0  }
0xa1: {  	s15 =	sadd.s32 $0xFFFFF000, s9;
	s5 =	simm.s32 @p0 $0x5;
	[sflag:s21] =	ssyncadd.s32 $0xFFFFC000  }
0xa2: {  	[hbm4b:s15+s3] =	stream.linear.scatter [tilespmem:s14], [sflag:$0xA], $0x4000, $0x38;
	[tilespmem:$0x1A880] =	vst v63  }
0xa3: {  	_ =	swait.ge @p0 [sflag:s5], $0x4000  }
0xa4: {  	s6 =	simm.s32 @p0 $0x8C80;
	s8 =	simm.s32 @!p0 $0x9;
	[sflag:s5] =	ssyncset.done @p0 $0x0  }
0xa5: {  	s4 =	rddreg [dreg:$0x5];
	[sflag:s5] =	ssyncadd.s32 @p0 $0xFFFFC000;
	s5 =	simm.s32 @p0 $0x0  }
0xa6: {  	[hbm4b:s4+s5] =	stream.linear.scatter @p0 [tilespmem:s6], [sflag:$0xB], $0x4000, $0x38;
	[tilespmem:$0x1A880] =	vst v63  }
0xa7: {  	s11 =	simm.s32 @!p0 $0xC80;
	_ =	swait.ge @!p0 [sflag:s8], $0x4000  }
0xa8: {  	s4 =	sshra.s32 @!p0 s10, $0x2;
	s10 =	simm.s32 @!p0 $0x80;
	[sflag:s8] =	ssyncset.done @!p0 $0x0  }
0xa9: {  	s6 =	sadd.s32 @!p0 $0x300, s4;
	[sflag:s8] =	ssyncadd.s32 @!p0 $0xFFFFC000;
	s8 =	simm.s32 @!p0 $0x5  }
0xaa: {  	[tilespmem:s11], [sflag:$0x3] =	stream.indirect.gather @!p0 [hbm4b:s1+s10], $0x80, s6, s10, $0xb8;
	[tilespmem:$0x1A880] =	vst v63  }
0xab: {  	_ =	swait.ge @!p0 [sflag:s8], $0x4000  }
0xac: {  	s15 =	simm.s32 @!p0 $0x0;
	s6 =	simm.s32 @!p0 $0x8C80;
	[sflag:s8] =	ssyncset.done @!p0 $0x0  }
0xad: {  	s11 =	sadd.s32 @!p0 $0xFFFFF800, s9;
	[sflag:s8] =	ssyncadd.s32 @!p0 $0xFFFFC000;
	s8 =	simm.s32 @!p0 $0xA  }
0xae: {  	[hbm4b:s11+s15] =	stream.linear.scatter @!p0 [tilespmem:s6], [sflag:$0xB], $0x4000, $0x38;
	[tilespmem:$0x1A880] =	vst v63  }
0xaf: {  	_ =	swait.ge @!p0 [sflag:s8], $0x4000  }
0xb0: {  	[sflag:s8] =	ssyncset.done @!p0 $0x0  }
0xb1: {  	s11 =	sadd.s32 @!p0 $0x380, s4;
	[sflag:s8] =	ssyncadd.s32 @!p0 $0xFFFFC000;
	s8 =	simm.s32 @!p0 $0x4C80  }
0xb2: {  	[tilespmem:s8], [sflag:$0x4] =	stream.indirect.gather @!p0 [hbm4b:s1+s10], $0x80, s11, s10, $0xb8;
	[tilespmem:$0x1A880] =	vst v63  }
0xb3: {  	_ =	swait.ge [sflag:s22], $0x4000  }
0xb4: {  	[sflag:s22] =	ssyncset.done $0x0  }
0xb5: {  	s8 =	simm.s32 @p0 $0x7;
	[sflag:s22] =	ssyncadd.s32 $0xFFFFC000  }
0xb6: {  	[hbm4b:s9+s3] =	stream.linear.scatter [tilespmem:s18], [sflag:$0xC], $0x4000, $0x38;
	[tilespmem:$0x1A880] =	vst v63  }
0xb7: {  	_ =	swait.ge @p0 [sflag:s8], $0x4000  }
0xb8: {  	[sflag:s8] =	ssyncset.done @p0 $0x0  }
0xb9: {  	s11 =	rddreg [dreg:$0x6];
	[sflag:s8] =	ssyncadd.s32 @p0 $0xFFFFC000;
	s8 =	simm.s32 @p0 $0x10C80  }
0xba: {  	[hbm4b:s11+s5] =	stream.linear.scatter @p0 [tilespmem:s8], [sflag:$0xD], $0x4000, $0x38;
	[tilespmem:$0x1A880] =	vst v63  }
0xbb: {  	s5 =	simm.s32 @!p0 $0xB  }
0xbc: {  	_ =	swait.ge @!p0 [sflag:s5], $0x4000  }
0xbd: {  	[sflag:s5] =	ssyncset.done @!p0 $0x0  }
0xbe: {  	[sflag:s5] =	ssyncadd.s32 @!p0 $0xFFFFC000;
	s5 =	sadd.s32 @!p0 $0x400, s4  }
0xbf: {  	[tilespmem:s6], [sflag:$0x5] =	stream.indirect.gather @!p0 [hbm4b:s1+s10], $0x80, s5, s10, $0xb8;
	[tilespmem:$0x1A880] =	vst v63  }
0xc0: {  	s5 =	simm.s32 @!p0 $0x7  }
0xc1: {  	_ =	swait.ge @!p0 [sflag:s5], $0x4000  }
0xc2: {  	[sflag:s5] =	ssyncset.done @!p0 $0x0  }
0xc3: {  	s6 =	sadd.s32 @!p0 $0x800, s9;
	[sflag:s5] =	ssyncadd.s32 @!p0 $0xFFFFC000;
	s5 =	simm.s32 @!p0 $0x10C80  }
0xc4: {  	[hbm4b:s6+s15] =	stream.linear.scatter @!p0 [tilespmem:s5], [sflag:$0xD], $0x4000, $0x38;
	[tilespmem:$0x1A880] =	vst v63  }
0xc5: {  	s5 =	simm.s32 @!p0 $0xC  }
0xc6: {  	_ =	swait.ge @!p0 [sflag:s5], $0x4000  }
0xc7: {  	[sflag:s5] =	ssyncset.done @!p0 $0x0  }
0xc8: {  	s4 =	sadd.s32 @!p0 $0x480, s4;
	[sflag:s5] =	ssyncadd.s32 @!p0 $0xFFFFC000;
	s5 =	simm.s32 @!p0 $0xCC80  }
0xc9: {  	[tilespmem:s5], [sflag:$0x6] =	stream.indirect.gather @!p0 [hbm4b:s1+s10], $0x80, s4, s10, $0xb8;
	[tilespmem:$0x1A880] =	vst v63  }
0xca: {  	_ =	swait.ge [sflag:s23], $0x4000  }
0xcb: {  	[sflag:s23] =	ssyncset.done $0x0  }
0xcc: {  	[sflag:s23] =	ssyncadd.s32 $0xFFFFC000  }
0xcd: {  	[hbm4b:s0+s3] =	stream.linear.scatter [tilespmem:s20], [sflag:$0xE], $0x4000, $0x38;
	[tilespmem:$0x1A880] =	vst v63  }
0xce: {  	_ =	swait.ge [sflag:s24], $0x1C00  }
0xcf: {  	s17 =	simm.s32 $0x9;
	[sflag:s24] =	ssyncset.done $0x0  }
0xd0: {  	s5 =	simm.s32 $0x18C80;
	s16 =	rddreg [dreg:$0x8];
	[sflag:s24] =	ssyncadd.s32 $0xFFFFE400  }
0xd1: {  	[hbm4b:s16+s3] =	stream.linear.scatter [tilespmem:s5], [sflag:$0x2], $0x1C00, $0x38;
	[tilespmem:$0x1A880] =	vst v63  }
0xd2: {  	_ =	swait.ge [sflag:s17], $0x4000  }
0xd3: {  	[sflag:s17] =	ssyncset.done $0x0  }
0xd4: {  	s25 =	simm.s32 $0xA;
	[sflag:s17] =	ssyncadd.s32 $0xFFFFC000  }
0xd5: {  	_ =	swait.ge [sflag:s25], $0x4000  }
0xd6: {  	[sflag:s25] =	ssyncset.done $0x0  }
0xd7: {  	s26 =	simm.s32 $0xB;
	[sflag:s25] =	ssyncadd.s32 $0xFFFFC000  }
0xd8: {  	_ =	swait.ge [sflag:s26], $0x4000  }
0xd9: {  	[sflag:s26] =	ssyncset.done $0x0  }
0xda: {  	s28 =	simm.s32 $0xC;
	[sflag:s26] =	ssyncadd.s32 $0xFFFFC000  }
0xdb: {  	_ =	swait.ge [sflag:s28], $0x4000  }
0xdc: {  	[sflag:s28] =	ssyncset.done $0x0  }
0xdd: {  	[sflag:s28] =	ssyncadd.s32 $0xFFFFC000  }
0xde: {  	_ =	swait.ge [sflag:s30], $0x4000  }
0xdf: {  	[sflag:s30] =	ssyncset.done $0x0  }
0xe0: {  	[sflag:s30] =	ssyncadd.s32 $0xFFFFC000  }
0xe1: {  	_ =	swait.ge [sflag:s31], $0x4000  }
0xe2: {  	[sflag:s31] =	ssyncset.done $0x0  }
0xe3: {  	[sflag:s31] =	ssyncadd.s32 $0xFFFFC000  }
0xe4: {  	_ =	swait.ge [sflag:s24], $0x1C00  }
0xe5: {  	s2 =	sadd.s32 $0x1, s2;
	s29 =	rddreg [dreg:$0x9]  }
0xe6: {  	p0 =	sne.s32 s2, s29  }
.Ltmp1:
0xe7: {  	_ = 	snop;
	(pc) =	sbr.rel @p0 .LBB2_1-.Ltmp1, $3  }
0xe8: {  	_ =	sdelay $0x1  }
0xe9: {  	[sflag:s24] =	ssyncset.done $0x0  }
0xea: {  	[sflag:s24] =	ssyncadd.s32 $0xFFFFE400  }
0xeb: {  	_ =	sfence.sel $0x180000  }
0xec: {  	[bflag:$0x0] =	sbarrier.arrive $0xFFFF  }
0xed: {  	_ =	strace $0x90000047  }
0xee: {  	s0 =	stileid.u32;
	[bflag:$0x2] =	sbarrier.arrive $0xFFFF  }
0xef: {  	p0 =	sne.s32 s0, $0x0;
	s0 =	rddreg [dreg:$0x3]  }
0xf0: {  	s0 =	sadd.s32 @!p0 $0x100000, s0  }
0xf1: {  	[sflag:s0] =	ssyncadd.tile.s32 @!p0 $0x1;
	_ =	shalt  }
.Lfunc_end2:
_tile_overlayer_lowered:
.L_overlay_start_2:
0xf2: {  	(tag) =	ssettag $0x2  }
0xf3: {  	s0 =	rddreg [dreg:$0x0];
	s2 =	stileid.u32  }
0xf4: {  	s1 =	rddreg [dreg:$0x1];
	p0 =	sne.s32 s2, $0x0  }
0xf5: {  	s3 =	rddreg [dreg:$0x2];
	[bflag:$0x3] =	sbarrier.arrive $0xFFFF;
	s2 =	simm.s32 @!p0 $0x1C0F  }
0xf6: {  	[timem:s3], [sflag:s2] =	dma.local @!p0 [hbm:s0], s1  }
0xf7: {  	s0 =	simm.s32 @!p0 $0xF  }
0xf8: {  	_ =	swait.ge @!p0 [sflag:s0], s1  }
0xf9: {  	s1 =	ssub.s32 @!p0 $0x0, s1;
	[sflag:s0] =	ssyncset.done @!p0 $0x0  }
0xfa: {  	[sflag:s0] =	ssyncadd.s32 @!p0 s1  }
0xfb: {  	[bflag:$0x3] =	sbarrier.arrive $0xFFFF  }
0xfc: {  	_ =	shalt  }

</sc_bundles>
